<compile_context>
chip_gen: v7x
topology: tpu7x:2x2x1
jax: 0.10.2.dev20260603
libtpu: 0.0.44.dev20260713+nightly
codegen_flags: <defaults>
</compile_context>

<pallas_src>
import functools

import jax
import jax.numpy as jnp
from jax import lax
from jax.experimental import pallas as pl
from jax.experimental.pallas import tpu as pltpu
from jax.experimental.pallas import tpu_sc as plsc

NC = 2
NS = 16
NW = NC * NS
D = 128


def _make_sc_agg(n_pad: int, n_edges: int, with_cnt: bool):
    epw = n_edges // NW
    K = 80
    n_chunks = epw // K
    rpt = n_pad // NS

    mesh = plsc.VectorSubcoreMesh(core_axis_name="c", subcore_axis_name="s")

    out_type = [jax.ShapeDtypeStruct((NC, n_pad, D), jnp.float32)]
    scratch = [
        pltpu.VMEM((K,), jnp.int32),
        pltpu.VMEM((K,), jnp.int32),
        pltpu.VMEM((K, D), jnp.float32),
        pltpu.VMEM_SHARED((n_pad, D), jnp.float32),
        pltpu.SemaphoreType.DMA,
    ]
    if with_cnt:
        out_type.append(jax.ShapeDtypeStruct((NW, 1, n_pad), jnp.float32))
        scratch.insert(3, pltpu.VMEM((1, n_pad), jnp.float32))

    @functools.partial(
        pl.kernel,
        mesh=mesh,
        out_type=tuple(out_type),
        scratch_types=scratch,
        compiler_params=pltpu.CompilerParams(needs_layout_passes=False),
    )
    def agg(x_hbm, src_hbm, dst_hbm, z_hbm, zc_hbm, *rest):
        if with_cnt:
            p_hbm, cnt_hbm, isrc, idst, rows, hist, acc, sem = rest
        else:
            p_hbm, isrc, idst, rows, acc, sem = rest
            cnt_hbm = hist = None
        c = lax.axis_index("c")
        s = lax.axis_index("s")
        wid = c * NS + s

        pltpu.sync_copy(z_hbm, acc.at[pl.ds(s * rpt, rpt)])
        if with_cnt:
            pltpu.sync_copy(zc_hbm, hist)
        plsc.subcore_barrier()

        zero16 = jnp.zeros((16,), jnp.int32)
        ones16 = jnp.ones((16,), jnp.float32)
        lane = lax.iota(jnp.int32, 16)

        def body(i, carry):
            eb = wid * epw + i * K
            pltpu.sync_copy(src_hbm.at[pl.ds(eb, K)], isrc)
            pltpu.sync_copy(dst_hbm.at[pl.ds(eb, K)], idst)
            pltpu.async_copy(x_hbm.at[isrc], rows, sem).wait()
            pltpu.sync_copy(rows, acc.at[idst], add=True)
            if with_cnt:
                for j in range(K // 16):
                    d = idst[pl.ds(j * 16, 16)]
                    for l in range(16):
                        plsc.addupdate_scatter(
                            hist, [zero16, d], ones16, mask=lane == l)
            return carry

        lax.fori_loop(0, n_chunks, body, 0)
        if with_cnt:
            pltpu.sync_copy(hist, cnt_hbm.at[wid])
        plsc.subcore_barrier()
        pltpu.sync_copy(acc.at[pl.ds(s * rpt, rpt)],
                        p_hbm.at[c, pl.ds(s * rpt, rpt)])

    return agg


def _make_tc_layer(n_pad: int, relu: bool):
    blk = 2048
    grid = (n_pad // blk,)

    def body(p_ref, cnt_ref, x_ref, wl_ref, b_ref, wr_ref, o_ref):
        ssum = p_ref[0] + p_ref[1]
        cnt = jnp.sum(cnt_ref[...], axis=(0, 1))
        cc = jnp.reshape(cnt, (blk, 1))
        mean = ssum / jnp.maximum(cc, 1.0)
        y = (jnp.dot(mean, wl_ref[...], preferred_element_type=jnp.float32)
             + b_ref[...]
             + jnp.dot(x_ref[...], wr_ref[...],
                       preferred_element_type=jnp.float32))
        if relu:
            y = jnp.maximum(y, 0.0)
        o_ref[...] = y

    return pl.pallas_call(
        body,
        grid=grid,
        in_specs=[
            pl.BlockSpec((NC, blk, D), lambda i: (0, i, 0)),
            pl.BlockSpec((NW, 1, blk), lambda i: (0, 0, i)),
            pl.BlockSpec((blk, D), lambda i: (i, 0)),
            pl.BlockSpec((D, D), lambda i: (0, 0)),
            pl.BlockSpec((1, D), lambda i: (0, 0)),
            pl.BlockSpec((D, D), lambda i: (0, 0)),
        ],
        out_specs=pl.BlockSpec((blk, D), lambda i: (i, 0)),
        out_shape=jax.ShapeDtypeStruct((n_pad, D), jnp.float32),
    )


def kernel(x, edge_index, W1l, b1, W1r, W2l, b2, W2r):
    n_nodes, d = x.shape
    n_edges = edge_index.shape[1]
    n_pad = -(-n_nodes // (128 * NS)) * (128 * NS)
    src = edge_index[0].astype(jnp.int32)
    dst = edge_index[1].astype(jnp.int32)

    zrows = jnp.zeros((n_pad // NS, D), jnp.float32)
    zcnt = jnp.zeros((1, n_pad), jnp.float32)

    p1, cnt = _make_sc_agg(n_pad, n_edges, with_cnt=True)(
        x, src, dst, zrows, zcnt)
    h = _make_tc_layer(n_pad, relu=True)(
        p1, cnt, jnp.zeros((n_pad, D), jnp.float32).at[:n_nodes].set(x),
        W1l, b1.reshape(1, D), W1r)
    (p2,) = _make_sc_agg(n_pad, n_edges, with_cnt=False)(
        h, src, dst, zrows, zcnt)
    out = _make_tc_layer(n_pad, relu=False)(
        p2, cnt, h, W2l, b2.reshape(1, D), W2r)
    return out[:n_nodes]

# --- scband reference (transcript-rebuilt; emitter-appended) ---
"""Pipeline reference for scband-gnn-37177236914713 (READ-ONLY COPY).

The authoritative reference and input builder live on the scoring server;
editing this copy changes nothing except your own understanding.
"""

import jax, jax.numpy as jnp
import numpy as np

N_NODES = 10000
D = 128
N_EDGES = 320000

def setup_inputs(seed: int = 0) -> dict:
    key = jax.random.key(seed)
    ks = jax.random.split(key, 8)
    x = jax.random.normal(ks[0], (N_NODES, D), dtype=jnp.float32)
    edge_index = jax.random.randint(ks[1], (2, N_EDGES), 0, N_NODES, dtype=jnp.int64)
    s = 1.0 / np.sqrt(D)
    W1l = jax.random.uniform(ks[2], (D, D), jnp.float32, -s, s)
    b1 = jnp.zeros((D,), jnp.float32)
    W1r = jax.random.uniform(ks[3], (D, D), jnp.float32, -s, s)
    W2l = jax.random.uniform(ks[4], (D, D), jnp.float32, -s, s)
    b2 = jnp.zeros((D,), jnp.float32)
    W2r = jax.random.uniform(ks[5], (D, D), jnp.float32, -s, s)
    return {"x": x, "edge_index": edge_index, "W1l": W1l, "b1": b1, "W1r": W1r, "W2l": W2l, "b2": b2, "W2r": W2r}

def _sage_conv(x, edge_index, Wl, bl, Wr):
    # SAGEConv with mean aggregation: out = lin_l(mean_j x_j) + lin_r(x)
    src = edge_index[0]
    dst = edge_index[1]
    msgs = jnp.take(x, src, axis=0)                       # gather
    agg = jax.ops.segment_sum(msgs, dst, num_segments=x.shape[0])   # scatter-add
    cnt = jax.ops.segment_sum(jnp.ones((src.shape[0],), x.dtype), dst, num_segments=x.shape[0])
    mean = agg / jnp.clip(cnt, 1.0, None)[:, None]
    return mean @ Wl + bl + x @ Wr

def reference(x, edge_index, W1l, b1, W1r, W2l, b2, W2r):
    h = jax.nn.relu(_sage_conv(x, edge_index, W1l, b1, W1r))
    out = _sage_conv(h, edge_index, W2l, b2, W2r)
    return out

if __name__ == "__main__":
    import jax
    _d = setup_inputs()
    print(jax.jit(kernel)(*tuple(_d.values())))

</pallas_src>

<mosaic_0001>
#map = affine_map<(d0, d1) -> (0, 0)>
#map1 = affine_map<(d0, d1) -> (0)>
#map2 = affine_map<(d0, d1) -> (0, 0, 0)>
module attributes {stable_mosaic.version = 14 : i64} {
  func.func @agg(%arg0: i32, %arg1: i32, %arg2: memref<10000x128xf32, #tpu.memory_space<hbm>>, %arg3: memref<320000xi32, #tpu.memory_space<hbm>>, %arg4: memref<320000xi32, #tpu.memory_space<hbm>>, %arg5: memref<640x128xf32, #tpu.memory_space<hbm>>, %arg6: memref<1x10240xf32, #tpu.memory_space<hbm>>, %arg7: memref<2x10240x128xf32, #tpu.memory_space<hbm>>, %arg8: memref<32x1x10240xf32, #tpu.memory_space<hbm>>, %arg9: memref<80xi32, #tpu.memory_space<vmem>>, %arg10: memref<80xi32, #tpu.memory_space<vmem>>, %arg11: memref<80x128xf32, #tpu.memory_space<vmem>>, %arg12: memref<1x10240xf32, #tpu.memory_space<vmem>>, %arg13: memref<10240x128xf32, #tpu.memory_space<vmem_shared>>, %arg14: memref<!tpu.dma_semaphore, #tpu.memory_space<semaphore_mem>>) attributes {dimension_semantics = [#tpu.dimension_semantics<core_parallel>, #tpu.dimension_semantics<subcore_parallel>], iteration_bounds = array<i64: 2, 16>, scalar_prefetch = 0 : i64, scratch_operands = 6 : i64, tpu.core_type = #tpu.core_type<sc_vector_subcore>, window_params = [{transform_indices = #map}, {transform_indices = #map1}, {transform_indices = #map1}, {transform_indices = #map}, {transform_indices = #map}, {transform_indices = #map2}, {transform_indices = #map2}]} {
    %mul3A = arith.constant 16 : i32
    %mul3A_0 = arith.muli %arg0, %mul3A : i32
    %add3A = arith.addi %mul3A_0, %arg1 : i32
    %mul3A_1 = arith.constant 640 : i32
    %mul3A_2 = arith.muli %arg1, %mul3A_1 : i32
    "tpu.region"() ({
      %run_scoped3A = tpu.sem_alloc : memref<!tpu.dma_semaphore, #tpu.memory_space<semaphore_mem>>
      %dma_start3A = arith.constant 0 : i32
      %dma_start3A_16 = tpu.memref_slice %arg13[%mul3A_2, %dma_start3A] : memref<10240x128xf32, #tpu.memory_space<vmem_shared>> -> memref<640x128xf32, #tpu.memory_space<vmem_shared>>
      tpu.enqueue_dma source(%arg5 : memref<640x128xf32, #tpu.memory_space<hbm>>) target(%dma_start3A_16 : memref<640x128xf32, #tpu.memory_space<vmem_shared>>) target_semaphore(%run_scoped3A : memref<!tpu.dma_semaphore, #tpu.memory_space<semaphore_mem>>)
      %dma_wait3A = arith.constant 0 : i32
      %dma_wait3A_17 = tpu.memref_slice %arg13[%mul3A_2, %dma_wait3A] : memref<10240x128xf32, #tpu.memory_space<vmem_shared>> -> memref<640x128xf32, #tpu.memory_space<vmem_shared>>
      tpu.wait_dma2 semaphore(%run_scoped3A : memref<!tpu.dma_semaphore, #tpu.memory_space<semaphore_mem>>) src(%arg5 : memref<640x128xf32, #tpu.memory_space<hbm>>) dst(%dma_wait3A_17 : memref<640x128xf32, #tpu.memory_space<vmem_shared>>)
      tpu.yield
    }) : () -> ()
    "tpu.region"() ({
      %run_scoped3A = tpu.sem_alloc : memref<!tpu.dma_semaphore, #tpu.memory_space<semaphore_mem>>
      tpu.enqueue_dma source(%arg6 : memref<1x10240xf32, #tpu.memory_space<hbm>>) target(%arg12 : memref<1x10240xf32, #tpu.memory_space<vmem>>) target_semaphore(%run_scoped3A : memref<!tpu.dma_semaphore, #tpu.memory_space<semaphore_mem>>)
      tpu.wait_dma2 semaphore(%run_scoped3A : memref<!tpu.dma_semaphore, #tpu.memory_space<semaphore_mem>>) src(%arg6 : memref<1x10240xf32, #tpu.memory_space<hbm>>) dst(%arg12 : memref<1x10240xf32, #tpu.memory_space<vmem>>)
      tpu.yield
    }) : () -> ()
    %barrier3A = arith.constant 0 : index
    tpu.barrier barrier_id(%barrier3A)
    %broadcast_in_dim3A = arith.constant 0 : i32
    %broadcast_in_dim3A_3 = vector.broadcast %broadcast_in_dim3A : i32 to vector<16xi32>
    %broadcast_in_dim3A_4 = arith.constant 1.000000e+00 : f32
    %broadcast_in_dim3A_5 = vector.broadcast %broadcast_in_dim3A_4 : f32 to vector<16xf32>
    %iota3A = tpu.iota {dimensions = array<i32: 0>} : vector<16xi32>
    %scan3A = arith.constant 0 : i32
    %scan3A_6 = arith.constant 0 : i32
    %scan3A_7 = arith.constant 125 : i32
    %scan3A_8 = arith.addi %scan3A_6, %scan3A_7 : i32
    %scan3A_9 = arith.constant 1 : i32
    scf.for %scan3A_16 = %scan3A_6 to %scan3A_8 step %scan3A_9  : i32 {
      %mul3A_17 = arith.constant 10000 : i32
      %mul3A_18 = arith.muli %add3A, %mul3A_17 : i32
      %mul3A_19 = arith.constant 80 : i32
      %mul3A_20 = arith.muli %scan3A_16, %mul3A_19 : i32
      %add3A_21 = arith.addi %mul3A_18, %mul3A_20 : i32
      "tpu.region"() ({
        %run_scoped3A = tpu.sem_alloc : memref<!tpu.dma_semaphore, #tpu.memory_space<semaphore_mem>>
        %dma_start3A_274 = tpu.memref_slice %arg3[%add3A_21] : memref<320000xi32, #tpu.memory_space<hbm>> -> memref<80xi32, #tpu.memory_space<hbm>>
        %dma_start3A_275 = tpu.memref_slice %arg3[%add3A_21] : memref<320000xi32, #tpu.memory_space<hbm>> -> memref<80xi32, #tpu.memory_space<hbm>>
        tpu.enqueue_dma source(%dma_start3A_275 : memref<80xi32, #tpu.memory_space<hbm>>) target(%arg9 : memref<80xi32, #tpu.memory_space<vmem>>) target_semaphore(%run_scoped3A : memref<!tpu.dma_semaphore, #tpu.memory_space<semaphore_mem>>)
        %dma_wait3A_276 = tpu.memref_slice %arg3[%add3A_21] : memref<320000xi32, #tpu.memory_space<hbm>> -> memref<80xi32, #tpu.memory_space<hbm>>
        %dma_wait3A_277 = tpu.memref_slice %arg3[%add3A_21] : memref<320000xi32, #tpu.memory_space<hbm>> -> memref<80xi32, #tpu.memory_space<hbm>>
        tpu.wait_dma2 semaphore(%run_scoped3A : memref<!tpu.dma_semaphore, #tpu.memory_space<semaphore_mem>>) src(%dma_wait3A_277 : memref<80xi32, #tpu.memory_space<hbm>>) dst(%arg9 : memref<80xi32, #tpu.memory_space<vmem>>)
        tpu.yield
      }) : () -> ()
      "tpu.region"() ({
        %run_scoped3A = tpu.sem_alloc : memref<!tpu.dma_semaphore, #tpu.memory_space<semaphore_mem>>
        %dma_start3A_274 = tpu.memref_slice %arg4[%add3A_21] : memref<320000xi32, #tpu.memory_space<hbm>> -> memref<80xi32, #tpu.memory_space<hbm>>
        %dma_start3A_275 = tpu.memref_slice %arg4[%add3A_21] : memref<320000xi32, #tpu.memory_space<hbm>> -> memref<80xi32, #tpu.memory_space<hbm>>
        tpu.enqueue_dma source(%dma_start3A_275 : memref<80xi32, #tpu.memory_space<hbm>>) target(%arg10 : memref<80xi32, #tpu.memory_space<vmem>>) target_semaphore(%run_scoped3A : memref<!tpu.dma_semaphore, #tpu.memory_space<semaphore_mem>>)
        %dma_wait3A_276 = tpu.memref_slice %arg4[%add3A_21] : memref<320000xi32, #tpu.memory_space<hbm>> -> memref<80xi32, #tpu.memory_space<hbm>>
        %dma_wait3A_277 = tpu.memref_slice %arg4[%add3A_21] : memref<320000xi32, #tpu.memory_space<hbm>> -> memref<80xi32, #tpu.memory_space<hbm>>
        tpu.wait_dma2 semaphore(%run_scoped3A : memref<!tpu.dma_semaphore, #tpu.memory_space<semaphore_mem>>) src(%dma_wait3A_277 : memref<80xi32, #tpu.memory_space<hbm>>) dst(%arg10 : memref<80xi32, #tpu.memory_space<vmem>>)
        tpu.yield
      }) : () -> ()
      %dma_start3A = arith.constant 0 : i32
      %dma_start3A_22 = arith.constant 0 : i32
      %dma_start3A_23 = tpu.memref_slice %arg2[%dma_start3A, %dma_start3A_22] : memref<10000x128xf32, #tpu.memory_space<hbm>> -> memref<10000x128xf32, #tpu.memory_space<hbm>>
      tpu.enqueue_indirect_dma source(%dma_start3A_23 : memref<10000x128xf32, #tpu.memory_space<hbm>>) target(%arg11 : memref<80x128xf32, #tpu.memory_space<vmem>>) offsets(%arg9 : memref<80xi32, #tpu.memory_space<vmem>>) semaphore(%arg14 : memref<!tpu.dma_semaphore, #tpu.memory_space<semaphore_mem>>)
      %dma_wait3A = arith.constant 0 : i32
      %dma_wait3A_24 = arith.constant 0 : i32
      %dma_wait3A_25 = tpu.memref_slice %arg2[%dma_wait3A, %dma_wait3A_24] : memref<10000x128xf32, #tpu.memory_space<hbm>> -> memref<10000x128xf32, #tpu.memory_space<hbm>>
      tpu.wait_indirect_dma semaphore(%arg14 : memref<!tpu.dma_semaphore, #tpu.memory_space<semaphore_mem>>) src(%dma_wait3A_25 : memref<10000x128xf32, #tpu.memory_space<hbm>>) dst(%arg11 : memref<80x128xf32, #tpu.memory_space<vmem>>)
      "tpu.region"() ({
        %run_scoped3A = tpu.sem_alloc : memref<!tpu.dma_semaphore, #tpu.memory_space<semaphore_mem>>
        %dma_start3A_274 = arith.constant 0 : i32
        %dma_start3A_275 = arith.constant 0 : i32
        %dma_start3A_276 = tpu.memref_slice %arg13[%dma_start3A_274, %dma_start3A_275] : memref<10240x128xf32, #tpu.memory_space<vmem_shared>> -> memref<10240x128xf32, #tpu.memory_space<vmem_shared>>
        tpu.enqueue_indirect_dma source(%arg11 : memref<80x128xf32, #tpu.memory_space<vmem>>) target(%dma_start3A_276 : memref<10240x128xf32, #tpu.memory_space<vmem_shared>>) offsets(%arg10 : memref<80xi32, #tpu.memory_space<vmem>>) semaphore(%run_scoped3A : memref<!tpu.dma_semaphore, #tpu.memory_space<semaphore_mem>>) {add = true}
        %dma_wait3A_277 = arith.constant 0 : i32
        %dma_wait3A_278 = arith.constant 0 : i32
        %dma_wait3A_279 = tpu.memref_slice %arg13[%dma_wait3A_277, %dma_wait3A_278] : memref<10240x128xf32, #tpu.memory_space<vmem_shared>> -> memref<10240x128xf32, #tpu.memory_space<vmem_shared>>
        tpu.wait_indirect_dma semaphore(%run_scoped3A : memref<!tpu.dma_semaphore, #tpu.memory_space<semaphore_mem>>) src(%arg11 : memref<80x128xf32, #tpu.memory_space<vmem>>) dst(%dma_wait3A_279 : memref<10240x128xf32, #tpu.memory_space<vmem_shared>>)
        tpu.yield
      }) : () -> ()
      %get3A = arith.constant 0 : index
      %get3A_26 = tpu.vector_load %arg10[%get3A] {strides = array<i32>} : memref<80xi32, #tpu.memory_space<vmem>>, vector<16xi32>,
      %eq3A = arith.constant 0 : i32
      %eq3A_27 = vector.broadcast %eq3A : i32 to vector<16xi32>
      %eq3A_28 = arith.cmpi eq, %iota3A, %eq3A_27 : vector<16xi32>
      tpu.vector_store_idx %arg12[%broadcast_in_dim3A_3, %get3A_26], %broadcast_in_dim3A_5 masked %eq3A_28 {add = true} : memref<1x10240xf32, #tpu.memory_space<vmem>>[vector<16xi32>, vector<16xi32>], vector<16xf32>, vector<16xi1>
      %eq3A_29 = arith.constant 1 : i32
      %eq3A_30 = vector.broadcast %eq3A_29 : i32 to vector<16xi32>
      %eq3A_31 = arith.cmpi eq, %iota3A, %eq3A_30 : vector<16xi32>
      tpu.vector_store_idx %arg12[%broadcast_in_dim3A_3, %get3A_26], %broadcast_in_dim3A_5 masked %eq3A_31 {add = true} : memref<1x10240xf32, #tpu.memory_space<vmem>>[vector<16xi32>, vector<16xi32>], vector<16xf32>, vector<16xi1>
      %eq3A_32 = arith.constant 2 : i32
      %eq3A_33 = vector.broadcast %eq3A_32 : i32 to vector<16xi32>
      %eq3A_34 = arith.cmpi eq, %iota3A, %eq3A_33 : vector<16xi32>
      tpu.vector_store_idx %arg12[%broadcast_in_dim3A_3, %get3A_26], %broadcast_in_dim3A_5 masked %eq3A_34 {add = true} : memref<1x10240xf32, #tpu.memory_space<vmem>>[vector<16xi32>, vector<16xi32>], vector<16xf32>, vector<16xi1>
      %eq3A_35 = arith.constant 3 : i32
      %eq3A_36 = vector.broadcast %eq3A_35 : i32 to vector<16xi32>
      %eq3A_37 = arith.cmpi eq, %iota3A, %eq3A_36 : vector<16xi32>
      tpu.vector_store_idx %arg12[%broadcast_in_dim3A_3, %get3A_26], %broadcast_in_dim3A_5 masked %eq3A_37 {add = true} : memref<1x10240xf32, #tpu.memory_space<vmem>>[vector<16xi32>, vector<16xi32>], vector<16xf32>, vector<16xi1>
      %eq3A_38 = arith.constant 4 : i32
      %eq3A_39 = vector.broadcast %eq3A_38 : i32 to vector<16xi32>
      %eq3A_40 = arith.cmpi eq, %iota3A, %eq3A_39 : vector<16xi32>
      tpu.vector_store_idx %arg12[%broadcast_in_dim3A_3, %get3A_26], %broadcast_in_dim3A_5 masked %eq3A_40 {add = true} : memref<1x10240xf32, #tpu.memory_space<vmem>>[vector<16xi32>, vector<16xi32>], vector<16xf32>, vector<16xi1>
      %eq3A_41 = arith.constant 5 : i32
      %eq3A_42 = vector.broadcast %eq3A_41 : i32 to vector<16xi32>
      %eq3A_43 = arith.cmpi eq, %iota3A, %eq3A_42 : vector<16xi32>
      tpu.vector_store_idx %arg12[%broadcast_in_dim3A_3, %get3A_26], %broadcast_in_dim3A_5 masked %eq3A_43 {add = true} : memref<1x10240xf32, #tpu.memory_space<vmem>>[vector<16xi32>, vector<16xi32>], vector<16xf32>, vector<16xi1>
      %eq3A_44 = arith.constant 6 : i32
      %eq3A_45 = vector.broadcast %eq3A_44 : i32 to vector<16xi32>
      %eq3A_46 = arith.cmpi eq, %iota3A, %eq3A_45 : vector<16xi32>
      tpu.vector_store_idx %arg12[%broadcast_in_dim3A_3, %get3A_26], %broadcast_in_dim3A_5 masked %eq3A_46 {add = true} : memref<1x10240xf32, #tpu.memory_space<vmem>>[vector<16xi32>, vector<16xi32>], vector<16xf32>, vector<16xi1>
      %eq3A_47 = arith.constant 7 : i32
      %eq3A_48 = vector.broadcast %eq3A_47 : i32 to vector<16xi32>
      %eq3A_49 = arith.cmpi eq, %iota3A, %eq3A_48 : vector<16xi32>
      tpu.vector_store_idx %arg12[%broadcast_in_dim3A_3, %get3A_26], %broadcast_in_dim3A_5 masked %eq3A_49 {add = true} : memref<1x10240xf32, #tpu.memory_space<vmem>>[vector<16xi32>, vector<16xi32>], vector<16xf32>, vector<16xi1>
      %eq3A_50 = arith.constant 8 : i32
      %eq3A_51 = vector.broadcast %eq3A_50 : i32 to vector<16xi32>
      %eq3A_52 = arith.cmpi eq, %iota3A, %eq3A_51 : vector<16xi32>
      tpu.vector_store_idx %arg12[%broadcast_in_dim3A_3, %get3A_26], %broadcast_in_dim3A_5 masked %eq3A_52 {add = true} : memref<1x10240xf32, #tpu.memory_space<vmem>>[vector<16xi32>, vector<16xi32>], vector<16xf32>, vector<16xi1>
      %eq3A_53 = arith.constant 9 : i32
      %eq3A_54 = vector.broadcast %eq3A_53 : i32 to vector<16xi32>
      %eq3A_55 = arith.cmpi eq, %iota3A, %eq3A_54 : vector<16xi32>
      tpu.vector_store_idx %arg12[%broadcast_in_dim3A_3, %get3A_26], %broadcast_in_dim3A_5 masked %eq3A_55 {add = true} : memref<1x10240xf32, #tpu.memory_space<vmem>>[vector<16xi32>, vector<16xi32>], vector<16xf32>, vector<16xi1>
      %eq3A_56 = arith.constant 10 : i32
      %eq3A_57 = vector.broadcast %eq3A_56 : i32 to vector<16xi32>
      %eq3A_58 = arith.cmpi eq, %iota3A, %eq3A_57 : vector<16xi32>
      tpu.vector_store_idx %arg12[%broadcast_in_dim3A_3, %get3A_26], %broadcast_in_dim3A_5 masked %eq3A_58 {add = true} : memref<1x10240xf32, #tpu.memory_space<vmem>>[vector<16xi32>, vector<16xi32>], vector<16xf32>, vector<16xi1>
      %eq3A_59 = arith.constant 11 : i32
      %eq3A_60 = vector.broadcast %eq3A_59 : i32 to vector<16xi32>
      %eq3A_61 = arith.cmpi eq, %iota3A, %eq3A_60 : vector<16xi32>
      tpu.vector_store_idx %arg12[%broadcast_in_dim3A_3, %get3A_26], %broadcast_in_dim3A_5 masked %eq3A_61 {add = true} : memref<1x10240xf32, #tpu.memory_space<vmem>>[vector<16xi32>, vector<16xi32>], vector<16xf32>, vector<16xi1>
      %eq3A_62 = arith.constant 12 : i32
      %eq3A_63 = vector.broadcast %eq3A_62 : i32 to vector<16xi32>
      %eq3A_64 = arith.cmpi eq, %iota3A, %eq3A_63 : vector<16xi32>
      tpu.vector_store_idx %arg12[%broadcast_in_dim3A_3, %get3A_26], %broadcast_in_dim3A_5 masked %eq3A_64 {add = true} : memref<1x10240xf32, #tpu.memory_space<vmem>>[vector<16xi32>, vector<16xi32>], vector<16xf32>, vector<16xi1>
      %eq3A_65 = arith.constant 13 : i32
      %eq3A_66 = vector.broadcast %eq3A_65 : i32 to vector<16xi32>
      %eq3A_67 = arith.cmpi eq, %iota3A, %eq3A_66 : vector<16xi32>
      tpu.vector_store_idx %arg12[%broadcast_in_dim3A_3, %get3A_26], %broadcast_in_dim3A_5 masked %eq3A_67 {add = true} : memref<1x10240xf32, #tpu.memory_space<vmem>>[vector<16xi32>, vector<16xi32>], vector<16xf32>, vector<16xi1>
      %eq3A_68 = arith.constant 14 : i32
      %eq3A_69 = vector.broadcast %eq3A_68 : i32 to vector<16xi32>
      %eq3A_70 = arith.cmpi eq, %iota3A, %eq3A_69 : vector<16xi32>
      tpu.vector_store_idx %arg12[%broadcast_in_dim3A_3, %get3A_26], %broadcast_in_dim3A_5 masked %eq3A_70 {add = true} : memref<1x10240xf32, #tpu.memory_space<vmem>>[vector<16xi32>, vector<16xi32>], vector<16xf32>, vector<16xi1>
      %eq3A_71 = arith.constant 15 : i32
      %eq3A_72 = vector.broadcast %eq3A_71 : i32 to vector<16xi32>
      %eq3A_73 = arith.cmpi eq, %iota3A, %eq3A_72 : vector<16xi32>
      tpu.vector_store_idx %arg12[%broadcast_in_dim3A_3, %get3A_26], %broadcast_in_dim3A_5 masked %eq3A_73 {add = true} : memref<1x10240xf32, #tpu.memory_space<vmem>>[vector<16xi32>, vector<16xi32>], vector<16xf32>, vector<16xi1>
      %get3A_74 = arith.constant 16 : index
      %get3A_75 = tpu.vector_load %arg10[%get3A_74] {strides = array<i32>} : memref<80xi32, #tpu.memory_space<vmem>>, vector<16xi32>,
      %eq3A_76 = arith.constant 0 : i32
      %eq3A_77 = vector.broadcast %eq3A_76 : i32 to vector<16xi32>
      %eq3A_78 = arith.cmpi eq, %iota3A, %eq3A_77 : vector<16xi32>
      tpu.vector_store_idx %arg12[%broadcast_in_dim3A_3, %get3A_75], %broadcast_in_dim3A_5 masked %eq3A_78 {add = true} : memref<1x10240xf32, #tpu.memory_space<vmem>>[vector<16xi32>, vector<16xi32>], vector<16xf32>, vector<16xi1>
      %eq3A_79 = arith.constant 1 : i32
      %eq3A_80 = vector.broadcast %eq3A_79 : i32 to vector<16xi32>
      %eq3A_81 = arith.cmpi eq, %iota3A, %eq3A_80 : vector<16xi32>
      tpu.vector_store_idx %arg12[%broadcast_in_dim3A_3, %get3A_75], %broadcast_in_dim3A_5 masked %eq3A_81 {add = true} : memref<1x10240xf32, #tpu.memory_space<vmem>>[vector<16xi32>, vector<16xi32>], vector<16xf32>, vector<16xi1>
      %eq3A_82 = arith.constant 2 : i32
      %eq3A_83 = vector.broadcast %eq3A_82 : i32 to vector<16xi32>
      %eq3A_84 = arith.cmpi eq, %iota3A, %eq3A_83 : vector<16xi32>
      tpu.vector_store_idx %arg12[%broadcast_in_dim3A_3, %get3A_75], %broadcast_in_dim3A_5 masked %eq3A_84 {add = true} : memref<1x10240xf32, #tpu.memory_space<vmem>>[vector<16xi32>, vector<16xi32>], vector<16xf32>, vector<16xi1>
      %eq3A_85 = arith.constant 3 : i32
      %eq3A_86 = vector.broadcast %eq3A_85 : i32 to vector<16xi32>
      %eq3A_87 = arith.cmpi eq, %iota3A, %eq3A_86 : vector<16xi32>
      tpu.vector_store_idx %arg12[%broadcast_in_dim3A_3, %get3A_75], %broadcast_in_dim3A_5 masked %eq3A_87 {add = true} : memref<1x10240xf32, #tpu.memory_space<vmem>>[vector<16xi32>, vector<16xi32>], vector<16xf32>, vector<16xi1>
      %eq3A_88 = arith.constant 4 : i32
      %eq3A_89 = vector.broadcast %eq3A_88 : i32 to vector<16xi32>
      %eq3A_90 = arith.cmpi eq, %iota3A, %eq3A_89 : vector<16xi32>
      tpu.vector_store_idx %arg12[%broadcast_in_dim3A_3, %get3A_75], %broadcast_in_dim3A_5 masked %eq3A_90 {add = true} : memref<1x10240xf32, #tpu.memory_space<vmem>>[vector<16xi32>, vector<16xi32>], vector<16xf32>, vector<16xi1>
      %eq3A_91 = arith.constant 5 : i32
      %eq3A_92 = vector.broadcast %eq3A_91 : i32 to vector<16xi32>
      %eq3A_93 = arith.cmpi eq, %iota3A, %eq3A_92 : vector<16xi32>
      tpu.vector_store_idx %arg12[%broadcast_in_dim3A_3, %get3A_75], %broadcast_in_dim3A_5 masked %eq3A_93 {add = true} : memref<1x10240xf32, #tpu.memory_space<vmem>>[vector<16xi32>, vector<16xi32>], vector<16xf32>, vector<16xi1>
      %eq3A_94 = arith.constant 6 : i32
      %eq3A_95 = vector.broadcast %eq3A_94 : i32 to vector<16xi32>
      %eq3A_96 = arith.cmpi eq, %iota3A, %eq3A_95 : vector<16xi32>
      tpu.vector_store_idx %arg12[%broadcast_in_dim3A_3, %get3A_75], %broadcast_in_dim3A_5 masked %eq3A_96 {add = true} : memref<1x10240xf32, #tpu.memory_space<vmem>>[vector<16xi32>, vector<16xi32>], vector<16xf32>, vector<16xi1>
      %eq3A_97 = arith.constant 7 : i32
      %eq3A_98 = vector.broadcast %eq3A_97 : i32 to vector<16xi32>
      %eq3A_99 = arith.cmpi eq, %iota3A, %eq3A_98 : vector<16xi32>
      tpu.vector_store_idx %arg12[%broadcast_in_dim3A_3, %get3A_75], %broadcast_in_dim3A_5 masked %eq3A_99 {add = true} : memref<1x10240xf32, #tpu.memory_space<vmem>>[vector<16xi32>, vector<16xi32>], vector<16xf32>, vector<16xi1>
      %eq3A_100 = arith.constant 8 : i32
      %eq3A_101 = vector.broadcast %eq3A_100 : i32 to vector<16xi32>
      %eq3A_102 = arith.cmpi eq, %iota3A, %eq3A_101 : vector<16xi32>
      tpu.vector_store_idx %arg12[%broadcast_in_dim3A_3, %get3A_75], %broadcast_in_dim3A_5 masked %eq3A_102 {add = true} : memref<1x10240xf32, #tpu.memory_space<vmem>>[vector<16xi32>, vector<16xi32>], vector<16xf32>, vector<16xi1>
      %eq3A_103 = arith.constant 9 : i32
      %eq3A_104 = vector.broadcast %eq3A_103 : i32 to vector<16xi32>
      %eq3A_105 = arith.cmpi eq, %iota3A, %eq3A_104 : vector<16xi32>
      tpu.vector_store_idx %arg12[%broadcast_in_dim3A_3, %get3A_75], %broadcast_in_dim3A_5 masked %eq3A_105 {add = true} : memref<1x10240xf32, #tpu.memory_space<vmem>>[vector<16xi32>, vector<16xi32>], vector<16xf32>, vector<16xi1>
      %eq3A_106 = arith.constant 10 : i32
      %eq3A_107 = vector.broadcast %eq3A_106 : i32 to vector<16xi32>
      %eq3A_108 = arith.cmpi eq, %iota3A, %eq3A_107 : vector<16xi32>
      tpu.vector_store_idx %arg12[%broadcast_in_dim3A_3, %get3A_75], %broadcast_in_dim3A_5 masked %eq3A_108 {add = true} : memref<1x10240xf32, #tpu.memory_space<vmem>>[vector<16xi32>, vector<16xi32>], vector<16xf32>, vector<16xi1>
      %eq3A_109 = arith.constant 11 : i32
      %eq3A_110 = vector.broadcast %eq3A_109 : i32 to vector<16xi32>
      %eq3A_111 = arith.cmpi eq, %iota3A, %eq3A_110 : vector<16xi32>
      tpu.vector_store_idx %arg12[%broadcast_in_dim3A_3, %get3A_75], %broadcast_in_dim3A_5 masked %eq3A_111 {add = true} : memref<1x10240xf32, #tpu.memory_space<vmem>>[vector<16xi32>, vector<16xi32>], vector<16xf32>, vector<16xi1>
      %eq3A_112 = arith.constant 12 : i32
      %eq3A_113 = vector.broadcast %eq3A_112 : i32 to vector<16xi32>
      %eq3A_114 = arith.cmpi eq, %iota3A, %eq3A_113 : vector<16xi32>
      tpu.vector_store_idx %arg12[%broadcast_in_dim3A_3, %get3A_75], %broadcast_in_dim3A_5 masked %eq3A_114 {add = true} : memref<1x10240xf32, #tpu.memory_space<vmem>>[vector<16xi32>, vector<16xi32>], vector<16xf32>, vector<16xi1>
      %eq3A_115 = arith.constant 13 : i32
      %eq3A_116 = vector.broadcast %eq3A_115 : i32 to vector<16xi32>
      %eq3A_117 = arith.cmpi eq, %iota3A, %eq3A_116 : vector<16xi32>
      tpu.vector_store_idx %arg12[%broadcast_in_dim3A_3, %get3A_75], %broadcast_in_dim3A_5 masked %eq3A_117 {add = true} : memref<1x10240xf32, #tpu.memory_space<vmem>>[vector<16xi32>, vector<16xi32>], vector<16xf32>, vector<16xi1>
      %eq3A_118 = arith.constant 14 : i32
      %eq3A_119 = vector.broadcast %eq3A_118 : i32 to vector<16xi32>
      %eq3A_120 = arith.cmpi eq, %iota3A, %eq3A_119 : vector<16xi32>
      tpu.vector_store_idx %arg12[%broadcast_in_dim3A_3, %get3A_75], %broadcast_in_dim3A_5 masked %eq3A_120 {add = true} : memref<1x10240xf32, #tpu.memory_space<vmem>>[vector<16xi32>, vector<16xi32>], vector<16xf32>, vector<16xi1>
      %eq3A_121 = arith.constant 15 : i32
      %eq3A_122 = vector.broadcast %eq3A_121 : i32 to vector<16xi32>
      %eq3A_123 = arith.cmpi eq, %iota3A, %eq3A_122 : vector<16xi32>
      tpu.vector_store_idx %arg12[%broadcast_in_dim3A_3, %get3A_75], %broadcast_in_dim3A_5 masked %eq3A_123 {add = true} : memref<1x10240xf32, #tpu.memory_space<vmem>>[vector<16xi32>, vector<16xi32>], vector<16xf32>, vector<16xi1>
      %get3A_124 = arith.constant 32 : index
      %get3A_125 = tpu.vector_load %arg10[%get3A_124] {strides = array<i32>} : memref<80xi32, #tpu.memory_space<vmem>>, vector<16xi32>,
      %eq3A_126 = arith.constant 0 : i32
      %eq3A_127 = vector.broadcast %eq3A_126 : i32 to vector<16xi32>
      %eq3A_128 = arith.cmpi eq, %iota3A, %eq3A_127 : vector<16xi32>
      tpu.vector_store_idx %arg12[%broadcast_in_dim3A_3, %get3A_125], %broadcast_in_dim3A_5 masked %eq3A_128 {add = true} : memref<1x10240xf32, #tpu.memory_space<vmem>>[vector<16xi32>, vector<16xi32>], vector<16xf32>, vector<16xi1>
      %eq3A_129 = arith.constant 1 : i32
      %eq3A_130 = vector.broadcast %eq3A_129 : i32 to vector<16xi32>
      %eq3A_131 = arith.cmpi eq, %iota3A, %eq3A_130 : vector<16xi32>
      tpu.vector_store_idx %arg12[%broadcast_in_dim3A_3, %get3A_125], %broadcast_in_dim3A_5 masked %eq3A_131 {add = true} : memref<1x10240xf32, #tpu.memory_space<vmem>>[vector<16xi32>, vector<16xi32>], vector<16xf32>, vector<16xi1>
      %eq3A_132 = arith.constant 2 : i32
      %eq3A_133 = vector.broadcast %eq3A_132 : i32 to vector<16xi32>
      %eq3A_134 = arith.cmpi eq, %iota3A, %eq3A_133 : vector<16xi32>
      tpu.vector_store_idx %arg12[%broadcast_in_dim3A_3, %get3A_125], %broadcast_in_dim3A_5 masked %eq3A_134 {add = true} : memref<1x10240xf32, #tpu.memory_space<vmem>>[vector<16xi32>, vector<16xi32>], vector<16xf32>, vector<16xi1>
      %eq3A_135 = arith.constant 3 : i32
      %eq3A_136 = vector.broadcast %eq3A_135 : i32 to vector<16xi32>
      %eq3A_137 = arith.cmpi eq, %iota3A, %eq3A_136 : vector<16xi32>
      tpu.vector_store_idx %arg12[%broadcast_in_dim3A_3, %get3A_125], %broadcast_in_dim3A_5 masked %eq3A_137 {add = true} : memref<1x10240xf32, #tpu.memory_space<vmem>>[vector<16xi32>, vector<16xi32>], vector<16xf32>, vector<16xi1>
      %eq3A_138 = arith.constant 4 : i32
      %eq3A_139 = vector.broadcast %eq3A_138 : i32 to vector<16xi32>
      %eq3A_140 = arith.cmpi eq, %iota3A, %eq3A_139 : vector<16xi32>
      tpu.vector_store_idx %arg12[%broadcast_in_dim3A_3, %get3A_125], %broadcast_in_dim3A_5 masked %eq3A_140 {add = true} : memref<1x10240xf32, #tpu.memory_space<vmem>>[vector<16xi32>, vector<16xi32>], vector<16xf32>, vector<16xi1>
      %eq3A_141 = arith.constant 5 : i32
      %eq3A_142 = vector.broadcast %eq3A_141 : i32 to vector<16xi32>
      %eq3A_143 = arith.cmpi eq, %iota3A, %eq3A_142 : vector<16xi32>
      tpu.vector_store_idx %arg12[%broadcast_in_dim3A_3, %get3A_125], %broadcast_in_dim3A_5 masked %eq3A_143 {add = true} : memref<1x10240xf32, #tpu.memory_space<vmem>>[vector<16xi32>, vector<16xi32>], vector<16xf32>, vector<16xi1>
      %eq3A_144 = arith.constant 6 : i32
      %eq3A_145 = vector.broadcast %eq3A_144 : i32 to vector<16xi32>
      %eq3A_146 = arith.cmpi eq, %iota3A, %eq3A_145 : vector<16xi32>
      tpu.vector_store_idx %arg12[%broadcast_in_dim3A_3, %get3A_125], %broadcast_in_dim3A_5 masked %eq3A_146 {add = true} : memref<1x10240xf32, #tpu.memory_space<vmem>>[vector<16xi32>, vector<16xi32>], vector<16xf32>, vector<16xi1>
      %eq3A_147 = arith.constant 7 : i32
      %eq3A_148 = vector.broadcast %eq3A_147 : i32 to vector<16xi32>
      %eq3A_149 = arith.cmpi eq, %iota3A, %eq3A_148 : vector<16xi32>
      tpu.vector_store_idx %arg12[%broadcast_in_dim3A_3, %get3A_125], %broadcast_in_dim3A_5 masked %eq3A_149 {add = true} : memref<1x10240xf32, #tpu.memory_space<vmem>>[vector<16xi32>, vector<16xi32>], vector<16xf32>, vector<16xi1>
      %eq3A_150 = arith.constant 8 : i32
      %eq3A_151 = vector.broadcast %eq3A_150 : i32 to vector<16xi32>
      %eq3A_152 = arith.cmpi eq, %iota3A, %eq3A_151 : vector<16xi32>
      tpu.vector_store_idx %arg12[%broadcast_in_dim3A_3, %get3A_125], %broadcast_in_dim3A_5 masked %eq3A_152 {add = true} : memref<1x10240xf32, #tpu.memory_space<vmem>>[vector<16xi32>, vector<16xi32>], vector<16xf32>, vector<16xi1>
      %eq3A_153 = arith.constant 9 : i32
      %eq3A_154 = vector.broadcast %eq3A_153 : i32 to vector<16xi32>
      %eq3A_155 = arith.cmpi eq, %iota3A, %eq3A_154 : vector<16xi32>
      tpu.vector_store_idx %arg12[%broadcast_in_dim3A_3, %get3A_125], %broadcast_in_dim3A_5 masked %eq3A_155 {add = true} : memref<1x10240xf32, #tpu.memory_space<vmem>>[vector<16xi32>, vector<16xi32>], vector<16xf32>, vector<16xi1>
      %eq3A_156 = arith.constant 10 : i32
      %eq3A_157 = vector.broadcast %eq3A_156 : i32 to vector<16xi32>
      %eq3A_158 = arith.cmpi eq, %iota3A, %eq3A_157 : vector<16xi32>
      tpu.vector_store_idx %arg12[%broadcast_in_dim3A_3, %get3A_125], %broadcast_in_dim3A_5 masked %eq3A_158 {add = true} : memref<1x10240xf32, #tpu.memory_space<vmem>>[vector<16xi32>, vector<16xi32>], vector<16xf32>, vector<16xi1>
      %eq3A_159 = arith.constant 11 : i32
      %eq3A_160 = vector.broadcast %eq3A_159 : i32 to vector<16xi32>
      %eq3A_161 = arith.cmpi eq, %iota3A, %eq3A_160 : vector<16xi32>
      tpu.vector_store_idx %arg12[%broadcast_in_dim3A_3, %get3A_125], %broadcast_in_dim3A_5 masked %eq3A_161 {add = true} : memref<1x10240xf32, #tpu.memory_space<vmem>>[vector<16xi32>, vector<16xi32>], vector<16xf32>, vector<16xi1>
      %eq3A_162 = arith.constant 12 : i32
      %eq3A_163 = vector.broadcast %eq3A_162 : i32 to vector<16xi32>
      %eq3A_164 = arith.cmpi eq, %iota3A, %eq3A_163 : vector<16xi32>
      tpu.vector_store_idx %arg12[%broadcast_in_dim3A_3, %get3A_125], %broadcast_in_dim3A_5 masked %eq3A_164 {add = true} : memref<1x10240xf32, #tpu.memory_space<vmem>>[vector<16xi32>, vector<16xi32>], vector<16xf32>, vector<16xi1>
      %eq3A_165 = arith.constant 13 : i32
      %eq3A_166 = vector.broadcast %eq3A_165 : i32 to vector<16xi32>
      %eq3A_167 = arith.cmpi eq, %iota3A, %eq3A_166 : vector<16xi32>
      tpu.vector_store_idx %arg12[%broadcast_in_dim3A_3, %get3A_125], %broadcast_in_dim3A_5 masked %eq3A_167 {add = true} : memref<1x10240xf32, #tpu.memory_space<vmem>>[vector<16xi32>, vector<16xi32>], vector<16xf32>, vector<16xi1>
      %eq3A_168 = arith.constant 14 : i32
      %eq3A_169 = vector.broadcast %eq3A_168 : i32 to vector<16xi32>
      %eq3A_170 = arith.cmpi eq, %iota3A, %eq3A_169 : vector<16xi32>
      tpu.vector_store_idx %arg12[%broadcast_in_dim3A_3, %get3A_125], %broadcast_in_dim3A_5 masked %eq3A_170 {add = true} : memref<1x10240xf32, #tpu.memory_space<vmem>>[vector<16xi32>, vector<16xi32>], vector<16xf32>, vector<16xi1>
      %eq3A_171 = arith.constant 15 : i32
      %eq3A_172 = vector.broadcast %eq3A_171 : i32 to vector<16xi32>
      %eq3A_173 = arith.cmpi eq, %iota3A, %eq3A_172 : vector<16xi32>
      tpu.vector_store_idx %arg12[%broadcast_in_dim3A_3, %get3A_125], %broadcast_in_dim3A_5 masked %eq3A_173 {add = true} : memref<1x10240xf32, #tpu.memory_space<vmem>>[vector<16xi32>, vector<16xi32>], vector<16xf32>, vector<16xi1>
      %get3A_174 = arith.constant 48 : index
      %get3A_175 = tpu.vector_load %arg10[%get3A_174] {strides = array<i32>} : memref<80xi32, #tpu.memory_space<vmem>>, vector<16xi32>,
      %eq3A_176 = arith.constant 0 : i32
      %eq3A_177 = vector.broadcast %eq3A_176 : i32 to vector<16xi32>
      %eq3A_178 = arith.cmpi eq, %iota3A, %eq3A_177 : vector<16xi32>
      tpu.vector_store_idx %arg12[%broadcast_in_dim3A_3, %get3A_175], %broadcast_in_dim3A_5 masked %eq3A_178 {add = true} : memref<1x10240xf32, #tpu.memory_space<vmem>>[vector<16xi32>, vector<16xi32>], vector<16xf32>, vector<16xi1>
      %eq3A_179 = arith.constant 1 : i32
      %eq3A_180 = vector.broadcast %eq3A_179 : i32 to vector<16xi32>
      %eq3A_181 = arith.cmpi eq, %iota3A, %eq3A_180 : vector<16xi32>
      tpu.vector_store_idx %arg12[%broadcast_in_dim3A_3, %get3A_175], %broadcast_in_dim3A_5 masked %eq3A_181 {add = true} : memref<1x10240xf32, #tpu.memory_space<vmem>>[vector<16xi32>, vector<16xi32>], vector<16xf32>, vector<16xi1>
      %eq3A_182 = arith.constant 2 : i32
      %eq3A_183 = vector.broadcast %eq3A_182 : i32 to vector<16xi32>
      %eq3A_184 = arith.cmpi eq, %iota3A, %eq3A_183 : vector<16xi32>
      tpu.vector_store_idx %arg12[%broadcast_in_dim3A_3, %get3A_175], %broadcast_in_dim3A_5 masked %eq3A_184 {add = true} : memref<1x10240xf32, #tpu.memory_space<vmem>>[vector<16xi32>, vector<16xi32>], vector<16xf32>, vector<16xi1>
      %eq3A_185 = arith.constant 3 : i32
      %eq3A_186 = vector.broadcast %eq3A_185 : i32 to vector<16xi32>
      %eq3A_187 = arith.cmpi eq, %iota3A, %eq3A_186 : vector<16xi32>
      tpu.vector_store_idx %arg12[%broadcast_in_dim3A_3, %get3A_175], %broadcast_in_dim3A_5 masked %eq3A_187 {add = true} : memref<1x10240xf32, #tpu.memory_space<vmem>>[vector<16xi32>, vector<16xi32>], vector<16xf32>, vector<16xi1>
      %eq3A_188 = arith.constant 4 : i32
      %eq3A_189 = vector.broadcast %eq3A_188 : i32 to vector<16xi32>
      %eq3A_190 = arith.cmpi eq, %iota3A, %eq3A_189 : vector<16xi32>
      tpu.vector_store_idx %arg12[%broadcast_in_dim3A_3, %get3A_175], %broadcast_in_dim3A_5 masked %eq3A_190 {add = true} : memref<1x10240xf32, #tpu.memory_space<vmem>>[vector<16xi32>, vector<16xi32>], vector<16xf32>, vector<16xi1>
      %eq3A_191 = arith.constant 5 : i32
      %eq3A_192 = vector.broadcast %eq3A_191 : i32 to vector<16xi32>
      %eq3A_193 = arith.cmpi eq, %iota3A, %eq3A_192 : vector<16xi32>
      tpu.vector_store_idx %arg12[%broadcast_in_dim3A_3, %get3A_175], %broadcast_in_dim3A_5 masked %eq3A_193 {add = true} : memref<1x10240xf32, #tpu.memory_space<vmem>>[vector<16xi32>, vector<16xi32>], vector<16xf32>, vector<16xi1>
      %eq3A_194 = arith.constant 6 : i32
      %eq3A_195 = vector.broadcast %eq3A_194 : i32 to vector<16xi32>
      %eq3A_196 = arith.cmpi eq, %iota3A, %eq3A_195 : vector<16xi32>
      tpu.vector_store_idx %arg12[%broadcast_in_dim3A_3, %get3A_175], %broadcast_in_dim3A_5 masked %eq3A_196 {add = true} : memref<1x10240xf32, #tpu.memory_space<vmem>>[vector<16xi32>, vector<16xi32>], vector<16xf32>, vector<16xi1>
      %eq3A_197 = arith.constant 7 : i32
      %eq3A_198 = vector.broadcast %eq3A_197 : i32 to vector<16xi32>
      %eq3A_199 = arith.cmpi eq, %iota3A, %eq3A_198 : vector<16xi32>
      tpu.vector_store_idx %arg12[%broadcast_in_dim3A_3, %get3A_175], %broadcast_in_dim3A_5 masked %eq3A_199 {add = true} : memref<1x10240xf32, #tpu.memory_space<vmem>>[vector<16xi32>, vector<16xi32>], vector<16xf32>, vector<16xi1>
      %eq3A_200 = arith.constant 8 : i32
      %eq3A_201 = vector.broadcast %eq3A_200 : i32 to vector<16xi32>
      %eq3A_202 = arith.cmpi eq, %iota3A, %eq3A_201 : vector<16xi32>
      tpu.vector_store_idx %arg12[%broadcast_in_dim3A_3, %get3A_175], %broadcast_in_dim3A_5 masked %eq3A_202 {add = true} : memref<1x10240xf32, #tpu.memory_space<vmem>>[vector<16xi32>, vector<16xi32>], vector<16xf32>, vector<16xi1>
      %eq3A_203 = arith.constant 9 : i32
      %eq3A_204 = vector.broadcast %eq3A_203 : i32 to vector<16xi32>
      %eq3A_205 = arith.cmpi eq, %iota3A, %eq3A_204 : vector<16xi32>
      tpu.vector_store_idx %arg12[%broadcast_in_dim3A_3, %get3A_175], %broadcast_in_dim3A_5 masked %eq3A_205 {add = true} : memref<1x10240xf32, #tpu.memory_space<vmem>>[vector<16xi32>, vector<16xi32>], vector<16xf32>, vector<16xi1>
      %eq3A_206 = arith.constant 10 : i32
      %eq3A_207 = vector.broadcast %eq3A_206 : i32 to vector<16xi32>
      %eq3A_208 = arith.cmpi eq, %iota3A, %eq3A_207 : vector<16xi32>
      tpu.vector_store_idx %arg12[%broadcast_in_dim3A_3, %get3A_175], %broadcast_in_dim3A_5 masked %eq3A_208 {add = true} : memref<1x10240xf32, #tpu.memory_space<vmem>>[vector<16xi32>, vector<16xi32>], vector<16xf32>, vector<16xi1>
      %eq3A_209 = arith.constant 11 : i32
      %eq3A_210 = vector.broadcast %eq3A_209 : i32 to vector<16xi32>
      %eq3A_211 = arith.cmpi eq, %iota3A, %eq3A_210 : vector<16xi32>
      tpu.vector_store_idx %arg12[%broadcast_in_dim3A_3, %get3A_175], %broadcast_in_dim3A_5 masked %eq3A_211 {add = true} : memref<1x10240xf32, #tpu.memory_space<vmem>>[vector<16xi32>, vector<16xi32>], vector<16xf32>, vector<16xi1>
      %eq3A_212 = arith.constant 12 : i32
      %eq3A_213 = vector.broadcast %eq3A_212 : i32 to vector<16xi32>
      %eq3A_214 = arith.cmpi eq, %iota3A, %eq3A_213 : vector<16xi32>
      tpu.vector_store_idx %arg12[%broadcast_in_dim3A_3, %get3A_175], %broadcast_in_dim3A_5 masked %eq3A_214 {add = true} : memref<1x10240xf32, #tpu.memory_space<vmem>>[vector<16xi32>, vector<16xi32>], vector<16xf32>, vector<16xi1>
      %eq3A_215 = arith.constant 13 : i32
      %eq3A_216 = vector.broadcast %eq3A_215 : i32 to vector<16xi32>
      %eq3A_217 = arith.cmpi eq, %iota3A, %eq3A_216 : vector<16xi32>
      tpu.vector_store_idx %arg12[%broadcast_in_dim3A_3, %get3A_175], %broadcast_in_dim3A_5 masked %eq3A_217 {add = true} : memref<1x10240xf32, #tpu.memory_space<vmem>>[vector<16xi32>, vector<16xi32>], vector<16xf32>, vector<16xi1>
      %eq3A_218 = arith.constant 14 : i32
      %eq3A_219 = vector.broadcast %eq3A_218 : i32 to vector<16xi32>
      %eq3A_220 = arith.cmpi eq, %iota3A, %eq3A_219 : vector<16xi32>
      tpu.vector_store_idx %arg12[%broadcast_in_dim3A_3, %get3A_175], %broadcast_in_dim3A_5 masked %eq3A_220 {add = true} : memref<1x10240xf32, #tpu.memory_space<vmem>>[vector<16xi32>, vector<16xi32>], vector<16xf32>, vector<16xi1>
      %eq3A_221 = arith.constant 15 : i32
      %eq3A_222 = vector.broadcast %eq3A_221 : i32 to vector<16xi32>
      %eq3A_223 = arith.cmpi eq, %iota3A, %eq3A_222 : vector<16xi32>
      tpu.vector_store_idx %arg12[%broadcast_in_dim3A_3, %get3A_175], %broadcast_in_dim3A_5 masked %eq3A_223 {add = true} : memref<1x10240xf32, #tpu.memory_space<vmem>>[vector<16xi32>, vector<16xi32>], vector<16xf32>, vector<16xi1>
      %get3A_224 = arith.constant 64 : index
      %get3A_225 = tpu.vector_load %arg10[%get3A_224] {strides = array<i32>} : memref<80xi32, #tpu.memory_space<vmem>>, vector<16xi32>,
      %eq3A_226 = arith.constant 0 : i32
      %eq3A_227 = vector.broadcast %eq3A_226 : i32 to vector<16xi32>
      %eq3A_228 = arith.cmpi eq, %iota3A, %eq3A_227 : vector<16xi32>
      tpu.vector_store_idx %arg12[%broadcast_in_dim3A_3, %get3A_225], %broadcast_in_dim3A_5 masked %eq3A_228 {add = true} : memref<1x10240xf32, #tpu.memory_space<vmem>>[vector<16xi32>, vector<16xi32>], vector<16xf32>, vector<16xi1>
      %eq3A_229 = arith.constant 1 : i32
      %eq3A_230 = vector.broadcast %eq3A_229 : i32 to vector<16xi32>
      %eq3A_231 = arith.cmpi eq, %iota3A, %eq3A_230 : vector<16xi32>
      tpu.vector_store_idx %arg12[%broadcast_in_dim3A_3, %get3A_225], %broadcast_in_dim3A_5 masked %eq3A_231 {add = true} : memref<1x10240xf32, #tpu.memory_space<vmem>>[vector<16xi32>, vector<16xi32>], vector<16xf32>, vector<16xi1>
      %eq3A_232 = arith.constant 2 : i32
      %eq3A_233 = vector.broadcast %eq3A_232 : i32 to vector<16xi32>
      %eq3A_234 = arith.cmpi eq, %iota3A, %eq3A_233 : vector<16xi32>
      tpu.vector_store_idx %arg12[%broadcast_in_dim3A_3, %get3A_225], %broadcast_in_dim3A_5 masked %eq3A_234 {add = true} : memref<1x10240xf32, #tpu.memory_space<vmem>>[vector<16xi32>, vector<16xi32>], vector<16xf32>, vector<16xi1>
      %eq3A_235 = arith.constant 3 : i32
      %eq3A_236 = vector.broadcast %eq3A_235 : i32 to vector<16xi32>
      %eq3A_237 = arith.cmpi eq, %iota3A, %eq3A_236 : vector<16xi32>
      tpu.vector_store_idx %arg12[%broadcast_in_dim3A_3, %get3A_225], %broadcast_in_dim3A_5 masked %eq3A_237 {add = true} : memref<1x10240xf32, #tpu.memory_space<vmem>>[vector<16xi32>, vector<16xi32>], vector<16xf32>, vector<16xi1>
      %eq3A_238 = arith.constant 4 : i32
      %eq3A_239 = vector.broadcast %eq3A_238 : i32 to vector<16xi32>
      %eq3A_240 = arith.cmpi eq, %iota3A, %eq3A_239 : vector<16xi32>
      tpu.vector_store_idx %arg12[%broadcast_in_dim3A_3, %get3A_225], %broadcast_in_dim3A_5 masked %eq3A_240 {add = true} : memref<1x10240xf32, #tpu.memory_space<vmem>>[vector<16xi32>, vector<16xi32>], vector<16xf32>, vector<16xi1>
      %eq3A_241 = arith.constant 5 : i32
      %eq3A_242 = vector.broadcast %eq3A_241 : i32 to vector<16xi32>
      %eq3A_243 = arith.cmpi eq, %iota3A, %eq3A_242 : vector<16xi32>
      tpu.vector_store_idx %arg12[%broadcast_in_dim3A_3, %get3A_225], %broadcast_in_dim3A_5 masked %eq3A_243 {add = true} : memref<1x10240xf32, #tpu.memory_space<vmem>>[vector<16xi32>, vector<16xi32>], vector<16xf32>, vector<16xi1>
      %eq3A_244 = arith.constant 6 : i32
      %eq3A_245 = vector.broadcast %eq3A_244 : i32 to vector<16xi32>
      %eq3A_246 = arith.cmpi eq, %iota3A, %eq3A_245 : vector<16xi32>
      tpu.vector_store_idx %arg12[%broadcast_in_dim3A_3, %get3A_225], %broadcast_in_dim3A_5 masked %eq3A_246 {add = true} : memref<1x10240xf32, #tpu.memory_space<vmem>>[vector<16xi32>, vector<16xi32>], vector<16xf32>, vector<16xi1>
      %eq3A_247 = arith.constant 7 : i32
      %eq3A_248 = vector.broadcast %eq3A_247 : i32 to vector<16xi32>
      %eq3A_249 = arith.cmpi eq, %iota3A, %eq3A_248 : vector<16xi32>
      tpu.vector_store_idx %arg12[%broadcast_in_dim3A_3, %get3A_225], %broadcast_in_dim3A_5 masked %eq3A_249 {add = true} : memref<1x10240xf32, #tpu.memory_space<vmem>>[vector<16xi32>, vector<16xi32>], vector<16xf32>, vector<16xi1>
      %eq3A_250 = arith.constant 8 : i32
      %eq3A_251 = vector.broadcast %eq3A_250 : i32 to vector<16xi32>
      %eq3A_252 = arith.cmpi eq, %iota3A, %eq3A_251 : vector<16xi32>
      tpu.vector_store_idx %arg12[%broadcast_in_dim3A_3, %get3A_225], %broadcast_in_dim3A_5 masked %eq3A_252 {add = true} : memref<1x10240xf32, #tpu.memory_space<vmem>>[vector<16xi32>, vector<16xi32>], vector<16xf32>, vector<16xi1>
      %eq3A_253 = arith.constant 9 : i32
      %eq3A_254 = vector.broadcast %eq3A_253 : i32 to vector<16xi32>
      %eq3A_255 = arith.cmpi eq, %iota3A, %eq3A_254 : vector<16xi32>
      tpu.vector_store_idx %arg12[%broadcast_in_dim3A_3, %get3A_225], %broadcast_in_dim3A_5 masked %eq3A_255 {add = true} : memref<1x10240xf32, #tpu.memory_space<vmem>>[vector<16xi32>, vector<16xi32>], vector<16xf32>, vector<16xi1>
      %eq3A_256 = arith.constant 10 : i32
      %eq3A_257 = vector.broadcast %eq3A_256 : i32 to vector<16xi32>
      %eq3A_258 = arith.cmpi eq, %iota3A, %eq3A_257 : vector<16xi32>
      tpu.vector_store_idx %arg12[%broadcast_in_dim3A_3, %get3A_225], %broadcast_in_dim3A_5 masked %eq3A_258 {add = true} : memref<1x10240xf32, #tpu.memory_space<vmem>>[vector<16xi32>, vector<16xi32>], vector<16xf32>, vector<16xi1>
      %eq3A_259 = arith.constant 11 : i32
      %eq3A_260 = vector.broadcast %eq3A_259 : i32 to vector<16xi32>
      %eq3A_261 = arith.cmpi eq, %iota3A, %eq3A_260 : vector<16xi32>
      tpu.vector_store_idx %arg12[%broadcast_in_dim3A_3, %get3A_225], %broadcast_in_dim3A_5 masked %eq3A_261 {add = true} : memref<1x10240xf32, #tpu.memory_space<vmem>>[vector<16xi32>, vector<16xi32>], vector<16xf32>, vector<16xi1>
      %eq3A_262 = arith.constant 12 : i32
      %eq3A_263 = vector.broadcast %eq3A_262 : i32 to vector<16xi32>
      %eq3A_264 = arith.cmpi eq, %iota3A, %eq3A_263 : vector<16xi32>
      tpu.vector_store_idx %arg12[%broadcast_in_dim3A_3, %get3A_225], %broadcast_in_dim3A_5 masked %eq3A_264 {add = true} : memref<1x10240xf32, #tpu.memory_space<vmem>>[vector<16xi32>, vector<16xi32>], vector<16xf32>, vector<16xi1>
      %eq3A_265 = arith.constant 13 : i32
      %eq3A_266 = vector.broadcast %eq3A_265 : i32 to vector<16xi32>
      %eq3A_267 = arith.cmpi eq, %iota3A, %eq3A_266 : vector<16xi32>
      tpu.vector_store_idx %arg12[%broadcast_in_dim3A_3, %get3A_225], %broadcast_in_dim3A_5 masked %eq3A_267 {add = true} : memref<1x10240xf32, #tpu.memory_space<vmem>>[vector<16xi32>, vector<16xi32>], vector<16xf32>, vector<16xi1>
      %eq3A_268 = arith.constant 14 : i32
      %eq3A_269 = vector.broadcast %eq3A_268 : i32 to vector<16xi32>
      %eq3A_270 = arith.cmpi eq, %iota3A, %eq3A_269 : vector<16xi32>
      tpu.vector_store_idx %arg12[%broadcast_in_dim3A_3, %get3A_225], %broadcast_in_dim3A_5 masked %eq3A_270 {add = true} : memref<1x10240xf32, #tpu.memory_space<vmem>>[vector<16xi32>, vector<16xi32>], vector<16xf32>, vector<16xi1>
      %eq3A_271 = arith.constant 15 : i32
      %eq3A_272 = vector.broadcast %eq3A_271 : i32 to vector<16xi32>
      %eq3A_273 = arith.cmpi eq, %iota3A, %eq3A_272 : vector<16xi32>
      tpu.vector_store_idx %arg12[%broadcast_in_dim3A_3, %get3A_225], %broadcast_in_dim3A_5 masked %eq3A_273 {add = true} : memref<1x10240xf32, #tpu.memory_space<vmem>>[vector<16xi32>, vector<16xi32>], vector<16xf32>, vector<16xi1>
    }
    %scan3A_10 = arith.constant 125 : i32
    "tpu.region"() ({
      %run_scoped3A = tpu.sem_alloc : memref<!tpu.dma_semaphore, #tpu.memory_space<semaphore_mem>>
      %dma_start3A = arith.constant 0 : i32
      %dma_start3A_16 = arith.constant 0 : i32
      %dma_start3A_17 = tpu.memref_slice %arg8[%add3A, %dma_start3A, %dma_start3A_16] : memref<32x1x10240xf32, #tpu.memory_space<hbm>> -> memref<1x1x10240xf32, #tpu.memory_space<hbm>>
      %dma_start3A_18 = tpu.memref_squeeze %dma_start3A_17 : memref<1x1x10240xf32, #tpu.memory_space<hbm>> -> memref<1x10240xf32, #tpu.memory_space<hbm>>
      %dma_start3A_19 = arith.constant 0 : i32
      %dma_start3A_20 = arith.constant 0 : i32
      %dma_start3A_21 = tpu.memref_slice %arg8[%add3A, %dma_start3A_19, %dma_start3A_20] : memref<32x1x10240xf32, #tpu.memory_space<hbm>> -> memref<1x1x10240xf32, #tpu.memory_space<hbm>>
      %dma_start3A_22 = tpu.memref_squeeze %dma_start3A_21 : memref<1x1x10240xf32, #tpu.memory_space<hbm>> -> memref<1x10240xf32, #tpu.memory_space<hbm>>
      tpu.enqueue_dma source(%arg12 : memref<1x10240xf32, #tpu.memory_space<vmem>>) target(%dma_start3A_22 : memref<1x10240xf32, #tpu.memory_space<hbm>>) target_semaphore(%run_scoped3A : memref<!tpu.dma_semaphore, #tpu.memory_space<semaphore_mem>>)
      %dma_wait3A = arith.constant 0 : i32
      %dma_wait3A_23 = arith.constant 0 : i32
      %dma_wait3A_24 = tpu.memref_slice %arg8[%add3A, %dma_wait3A, %dma_wait3A_23] : memref<32x1x10240xf32, #tpu.memory_space<hbm>> -> memref<1x1x10240xf32, #tpu.memory_space<hbm>>
      %dma_wait3A_25 = tpu.memref_squeeze %dma_wait3A_24 : memref<1x1x10240xf32, #tpu.memory_space<hbm>> -> memref<1x10240xf32, #tpu.memory_space<hbm>>
      %dma_wait3A_26 = arith.constant 0 : i32
      %dma_wait3A_27 = arith.constant 0 : i32
      %dma_wait3A_28 = tpu.memref_slice %arg8[%add3A, %dma_wait3A_26, %dma_wait3A_27] : memref<32x1x10240xf32, #tpu.memory_space<hbm>> -> memref<1x1x10240xf32, #tpu.memory_space<hbm>>
      %dma_wait3A_29 = tpu.memref_squeeze %dma_wait3A_28 : memref<1x1x10240xf32, #tpu.memory_space<hbm>> -> memref<1x10240xf32, #tpu.memory_space<hbm>>
      tpu.wait_dma2 semaphore(%run_scoped3A : memref<!tpu.dma_semaphore, #tpu.memory_space<semaphore_mem>>) src(%arg12 : memref<1x10240xf32, #tpu.memory_space<vmem>>) dst(%dma_wait3A_29 : memref<1x10240xf32, #tpu.memory_space<hbm>>)
      tpu.yield
    }) : () -> ()
    %barrier3A_11 = arith.constant 0 : index
    tpu.barrier barrier_id(%barrier3A_11)
    %mul3A_12 = arith.constant 640 : i32
    %mul3A_13 = arith.muli %arg1, %mul3A_12 : i32
    %mul3A_14 = arith.constant 640 : i32
    %mul3A_15 = arith.muli %arg1, %mul3A_14 : i32
    "tpu.region"() ({
      %run_scoped3A = tpu.sem_alloc : memref<!tpu.dma_semaphore, #tpu.memory_space<semaphore_mem>>
      %dma_start3A = arith.constant 0 : i32
      %dma_start3A_16 = tpu.memref_slice %arg7[%arg0, %mul3A_15, %dma_start3A] : memref<2x10240x128xf32, #tpu.memory_space<hbm>> -> memref<1x640x128xf32, #tpu.memory_space<hbm>>
      %dma_start3A_17 = tpu.memref_squeeze %dma_start3A_16 : memref<1x640x128xf32, #tpu.memory_space<hbm>> -> memref<640x128xf32, #tpu.memory_space<hbm>>
      %dma_start3A_18 = arith.constant 0 : i32
      %dma_start3A_19 = tpu.memref_slice %arg13[%mul3A_13, %dma_start3A_18] : memref<10240x128xf32, #tpu.memory_space<vmem_shared>> -> memref<640x128xf32, #tpu.memory_space<vmem_shared>>
      tpu.enqueue_dma source(%dma_start3A_19 : memref<640x128xf32, #tpu.memory_space<vmem_shared>>) target(%dma_start3A_17 : memref<640x128xf32, #tpu.memory_space<hbm>>) target_semaphore(%run_scoped3A : memref<!tpu.dma_semaphore, #tpu.memory_space<semaphore_mem>>)
      %dma_wait3A = arith.constant 0 : i32
      %dma_wait3A_20 = tpu.memref_slice %arg7[%arg0, %mul3A_15, %dma_wait3A] : memref<2x10240x128xf32, #tpu.memory_space<hbm>> -> memref<1x640x128xf32, #tpu.memory_space<hbm>>
      %dma_wait3A_21 = tpu.memref_squeeze %dma_wait3A_20 : memref<1x640x128xf32, #tpu.memory_space<hbm>> -> memref<640x128xf32, #tpu.memory_space<hbm>>
      %dma_wait3A_22 = arith.constant 0 : i32
      %dma_wait3A_23 = tpu.memref_slice %arg13[%mul3A_13, %dma_wait3A_22] : memref<10240x128xf32, #tpu.memory_space<vmem_shared>> -> memref<640x128xf32, #tpu.memory_space<vmem_shared>>
      tpu.wait_dma2 semaphore(%run_scoped3A : memref<!tpu.dma_semaphore, #tpu.memory_space<semaphore_mem>>) src(%dma_wait3A_23 : memref<640x128xf32, #tpu.memory_space<vmem_shared>>) dst(%dma_wait3A_21 : memref<640x128xf32, #tpu.memory_space<hbm>>)
      tpu.yield
    }) : () -> ()
    return
  }
}

#map = affine_map<(d0, d1) -> (0, 0)>
#map1 = affine_map<(d0, d1) -> (0)>
#map2 = affine_map<(d0, d1) -> (0, 0, 0)>
module attributes {stable_mosaic.version = 14 : i64} {
  func.func @agg(%arg0: i32, %arg1: i32, %arg2: memref<10240x128xf32, #tpu.memory_space<hbm>>, %arg3: memref<320000xi32, #tpu.memory_space<hbm>>, %arg4: memref<320000xi32, #tpu.memory_space<hbm>>, %arg5: memref<640x128xf32, #tpu.memory_space<hbm>>, %arg6: memref<1x10240xf32, #tpu.memory_space<hbm>>, %arg7: memref<2x10240x128xf32, #tpu.memory_space<hbm>>, %arg8: memref<80xi32, #tpu.memory_space<vmem>>, %arg9: memref<80xi32, #tpu.memory_space<vmem>>, %arg10: memref<80x128xf32, #tpu.memory_space<vmem>>, %arg11: memref<10240x128xf32, #tpu.memory_space<vmem_shared>>, %arg12: memref<!tpu.dma_semaphore, #tpu.memory_space<semaphore_mem>>) attributes {dimension_semantics = [#tpu.dimension_semantics<core_parallel>, #tpu.dimension_semantics<subcore_parallel>], iteration_bounds = array<i64: 2, 16>, scalar_prefetch = 0 : i64, scratch_operands = 5 : i64, tpu.core_type = #tpu.core_type<sc_vector_subcore>, window_params = [{transform_indices = #map}, {transform_indices = #map1}, {transform_indices = #map1}, {transform_indices = #map}, {transform_indices = #map}, {transform_indices = #map2}]} {
    %mul3A = arith.constant 16 : i32
    %mul3A_0 = arith.muli %arg0, %mul3A : i32
    %add3A = arith.addi %mul3A_0, %arg1 : i32
    %mul3A_1 = arith.constant 640 : i32
    %mul3A_2 = arith.muli %arg1, %mul3A_1 : i32
    "tpu.region"() ({
      %run_scoped3A = tpu.sem_alloc : memref<!tpu.dma_semaphore, #tpu.memory_space<semaphore_mem>>
      %dma_start3A = arith.constant 0 : i32
      %dma_start3A_16 = tpu.memref_slice %arg11[%mul3A_2, %dma_start3A] : memref<10240x128xf32, #tpu.memory_space<vmem_shared>> -> memref<640x128xf32, #tpu.memory_space<vmem_shared>>
      tpu.enqueue_dma source(%arg5 : memref<640x128xf32, #tpu.memory_space<hbm>>) target(%dma_start3A_16 : memref<640x128xf32, #tpu.memory_space<vmem_shared>>) target_semaphore(%run_scoped3A : memref<!tpu.dma_semaphore, #tpu.memory_space<semaphore_mem>>)
      %dma_wait3A = arith.constant 0 : i32
      %dma_wait3A_17 = tpu.memref_slice %arg11[%mul3A_2, %dma_wait3A] : memref<10240x128xf32, #tpu.memory_space<vmem_shared>> -> memref<640x128xf32, #tpu.memory_space<vmem_shared>>
      tpu.wait_dma2 semaphore(%run_scoped3A : memref<!tpu.dma_semaphore, #tpu.memory_space<semaphore_mem>>) src(%arg5 : memref<640x128xf32, #tpu.memory_space<hbm>>) dst(%dma_wait3A_17 : memref<640x128xf32, #tpu.memory_space<vmem_shared>>)
      tpu.yield
    }) : () -> ()
    %barrier3A = arith.constant 0 : index
    tpu.barrier barrier_id(%barrier3A)
    %broadcast_in_dim3A = arith.constant 0 : i32
    %broadcast_in_dim3A_3 = vector.broadcast %broadcast_in_dim3A : i32 to vector<16xi32>
    %broadcast_in_dim3A_4 = arith.constant 1.000000e+00 : f32
    %broadcast_in_dim3A_5 = vector.broadcast %broadcast_in_dim3A_4 : f32 to vector<16xf32>
    %iota3A = tpu.iota {dimensions = array<i32: 0>} : vector<16xi32>
    %scan3A = arith.constant 0 : i32
    %scan3A_6 = arith.constant 0 : i32
    %scan3A_7 = arith.constant 125 : i32
    %scan3A_8 = arith.addi %scan3A_6, %scan3A_7 : i32
    %scan3A_9 = arith.constant 1 : i32
    scf.for %scan3A_16 = %scan3A_6 to %scan3A_8 step %scan3A_9  : i32 {
      %mul3A_17 = arith.constant 10000 : i32
      %mul3A_18 = arith.muli %add3A, %mul3A_17 : i32
      %mul3A_19 = arith.constant 80 : i32
      %mul3A_20 = arith.muli %scan3A_16, %mul3A_19 : i32
      %add3A_21 = arith.addi %mul3A_18, %mul3A_20 : i32
      "tpu.region"() ({
        %run_scoped3A = tpu.sem_alloc : memref<!tpu.dma_semaphore, #tpu.memory_space<semaphore_mem>>
        %dma_start3A_26 = tpu.memref_slice %arg3[%add3A_21] : memref<320000xi32, #tpu.memory_space<hbm>> -> memref<80xi32, #tpu.memory_space<hbm>>
        %dma_start3A_27 = tpu.memref_slice %arg3[%add3A_21] : memref<320000xi32, #tpu.memory_space<hbm>> -> memref<80xi32, #tpu.memory_space<hbm>>
        tpu.enqueue_dma source(%dma_start3A_27 : memref<80xi32, #tpu.memory_space<hbm>>) target(%arg8 : memref<80xi32, #tpu.memory_space<vmem>>) target_semaphore(%run_scoped3A : memref<!tpu.dma_semaphore, #tpu.memory_space<semaphore_mem>>)
        %dma_wait3A_28 = tpu.memref_slice %arg3[%add3A_21] : memref<320000xi32, #tpu.memory_space<hbm>> -> memref<80xi32, #tpu.memory_space<hbm>>
        %dma_wait3A_29 = tpu.memref_slice %arg3[%add3A_21] : memref<320000xi32, #tpu.memory_space<hbm>> -> memref<80xi32, #tpu.memory_space<hbm>>
        tpu.wait_dma2 semaphore(%run_scoped3A : memref<!tpu.dma_semaphore, #tpu.memory_space<semaphore_mem>>) src(%dma_wait3A_29 : memref<80xi32, #tpu.memory_space<hbm>>) dst(%arg8 : memref<80xi32, #tpu.memory_space<vmem>>)
        tpu.yield
      }) : () -> ()
      "tpu.region"() ({
        %run_scoped3A = tpu.sem_alloc : memref<!tpu.dma_semaphore, #tpu.memory_space<semaphore_mem>>
        %dma_start3A_26 = tpu.memref_slice %arg4[%add3A_21] : memref<320000xi32, #tpu.memory_space<hbm>> -> memref<80xi32, #tpu.memory_space<hbm>>
        %dma_start3A_27 = tpu.memref_slice %arg4[%add3A_21] : memref<320000xi32, #tpu.memory_space<hbm>> -> memref<80xi32, #tpu.memory_space<hbm>>
        tpu.enqueue_dma source(%dma_start3A_27 : memref<80xi32, #tpu.memory_space<hbm>>) target(%arg9 : memref<80xi32, #tpu.memory_space<vmem>>) target_semaphore(%run_scoped3A : memref<!tpu.dma_semaphore, #tpu.memory_space<semaphore_mem>>)
        %dma_wait3A_28 = tpu.memref_slice %arg4[%add3A_21] : memref<320000xi32, #tpu.memory_space<hbm>> -> memref<80xi32, #tpu.memory_space<hbm>>
        %dma_wait3A_29 = tpu.memref_slice %arg4[%add3A_21] : memref<320000xi32, #tpu.memory_space<hbm>> -> memref<80xi32, #tpu.memory_space<hbm>>
        tpu.wait_dma2 semaphore(%run_scoped3A : memref<!tpu.dma_semaphore, #tpu.memory_space<semaphore_mem>>) src(%dma_wait3A_29 : memref<80xi32, #tpu.memory_space<hbm>>) dst(%arg9 : memref<80xi32, #tpu.memory_space<vmem>>)
        tpu.yield
      }) : () -> ()
      %dma_start3A = arith.constant 0 : i32
      %dma_start3A_22 = arith.constant 0 : i32
      %dma_start3A_23 = tpu.memref_slice %arg2[%dma_start3A, %dma_start3A_22] : memref<10240x128xf32, #tpu.memory_space<hbm>> -> memref<10240x128xf32, #tpu.memory_space<hbm>>
      tpu.enqueue_indirect_dma source(%dma_start3A_23 : memref<10240x128xf32, #tpu.memory_space<hbm>>) target(%arg10 : memref<80x128xf32, #tpu.memory_space<vmem>>) offsets(%arg8 : memref<80xi32, #tpu.memory_space<vmem>>) semaphore(%arg12 : memref<!tpu.dma_semaphore, #tpu.memory_space<semaphore_mem>>)
      %dma_wait3A = arith.constant 0 : i32
      %dma_wait3A_24 = arith.constant 0 : i32
      %dma_wait3A_25 = tpu.memref_slice %arg2[%dma_wait3A, %dma_wait3A_24] : memref<10240x128xf32, #tpu.memory_space<hbm>> -> memref<10240x128xf32, #tpu.memory_space<hbm>>
      tpu.wait_indirect_dma semaphore(%arg12 : memref<!tpu.dma_semaphore, #tpu.memory_space<semaphore_mem>>) src(%dma_wait3A_25 : memref<10240x128xf32, #tpu.memory_space<hbm>>) dst(%arg10 : memref<80x128xf32, #tpu.memory_space<vmem>>)
      "tpu.region"() ({
        %run_scoped3A = tpu.sem_alloc : memref<!tpu.dma_semaphore, #tpu.memory_space<semaphore_mem>>
        %dma_start3A_26 = arith.constant 0 : i32
        %dma_start3A_27 = arith.constant 0 : i32
        %dma_start3A_28 = tpu.memref_slice %arg11[%dma_start3A_26, %dma_start3A_27] : memref<10240x128xf32, #tpu.memory_space<vmem_shared>> -> memref<10240x128xf32, #tpu.memory_space<vmem_shared>>
        tpu.enqueue_indirect_dma source(%arg10 : memref<80x128xf32, #tpu.memory_space<vmem>>) target(%dma_start3A_28 : memref<10240x128xf32, #tpu.memory_space<vmem_shared>>) offsets(%arg9 : memref<80xi32, #tpu.memory_space<vmem>>) semaphore(%run_scoped3A : memref<!tpu.dma_semaphore, #tpu.memory_space<semaphore_mem>>) {add = true}
        %dma_wait3A_29 = arith.constant 0 : i32
        %dma_wait3A_30 = arith.constant 0 : i32
        %dma_wait3A_31 = tpu.memref_slice %arg11[%dma_wait3A_29, %dma_wait3A_30] : memref<10240x128xf32, #tpu.memory_space<vmem_shared>> -> memref<10240x128xf32, #tpu.memory_space<vmem_shared>>
        tpu.wait_indirect_dma semaphore(%run_scoped3A : memref<!tpu.dma_semaphore, #tpu.memory_space<semaphore_mem>>) src(%arg10 : memref<80x128xf32, #tpu.memory_space<vmem>>) dst(%dma_wait3A_31 : memref<10240x128xf32, #tpu.memory_space<vmem_shared>>)
        tpu.yield
      }) : () -> ()
    }
    %scan3A_10 = arith.constant 125 : i32
    %barrier3A_11 = arith.constant 0 : index
    tpu.barrier barrier_id(%barrier3A_11)
    %mul3A_12 = arith.constant 640 : i32
    %mul3A_13 = arith.muli %arg1, %mul3A_12 : i32
    %mul3A_14 = arith.constant 640 : i32
    %mul3A_15 = arith.muli %arg1, %mul3A_14 : i32
    "tpu.region"() ({
      %run_scoped3A = tpu.sem_alloc : memref<!tpu.dma_semaphore, #tpu.memory_space<semaphore_mem>>
      %dma_start3A = arith.constant 0 : i32
      %dma_start3A_16 = tpu.memref_slice %arg7[%arg0, %mul3A_15, %dma_start3A] : memref<2x10240x128xf32, #tpu.memory_space<hbm>> -> memref<1x640x128xf32, #tpu.memory_space<hbm>>
      %dma_start3A_17 = tpu.memref_squeeze %dma_start3A_16 : memref<1x640x128xf32, #tpu.memory_space<hbm>> -> memref<640x128xf32, #tpu.memory_space<hbm>>
      %dma_start3A_18 = arith.constant 0 : i32
      %dma_start3A_19 = tpu.memref_slice %arg11[%mul3A_13, %dma_start3A_18] : memref<10240x128xf32, #tpu.memory_space<vmem_shared>> -> memref<640x128xf32, #tpu.memory_space<vmem_shared>>
      tpu.enqueue_dma source(%dma_start3A_19 : memref<640x128xf32, #tpu.memory_space<vmem_shared>>) target(%dma_start3A_17 : memref<640x128xf32, #tpu.memory_space<hbm>>) target_semaphore(%run_scoped3A : memref<!tpu.dma_semaphore, #tpu.memory_space<semaphore_mem>>)
      %dma_wait3A = arith.constant 0 : i32
      %dma_wait3A_20 = tpu.memref_slice %arg7[%arg0, %mul3A_15, %dma_wait3A] : memref<2x10240x128xf32, #tpu.memory_space<hbm>> -> memref<1x640x128xf32, #tpu.memory_space<hbm>>
      %dma_wait3A_21 = tpu.memref_squeeze %dma_wait3A_20 : memref<1x640x128xf32, #tpu.memory_space<hbm>> -> memref<640x128xf32, #tpu.memory_space<hbm>>
      %dma_wait3A_22 = arith.constant 0 : i32
      %dma_wait3A_23 = tpu.memref_slice %arg11[%mul3A_13, %dma_wait3A_22] : memref<10240x128xf32, #tpu.memory_space<vmem_shared>> -> memref<640x128xf32, #tpu.memory_space<vmem_shared>>
      tpu.wait_dma2 semaphore(%run_scoped3A : memref<!tpu.dma_semaphore, #tpu.memory_space<semaphore_mem>>) src(%dma_wait3A_23 : memref<640x128xf32, #tpu.memory_space<vmem_shared>>) dst(%dma_wait3A_21 : memref<640x128xf32, #tpu.memory_space<hbm>>)
      tpu.yield
    }) : () -> ()
    return
  }
}

module attributes {stable_mosaic.version = 14 : i64} {
  func.func @body(%arg0: i32, %arg1: memref<2x2048x128xf32, #tpu.memory_space<vmem>>, %arg2: memref<32x1x2048xf32, #tpu.memory_space<vmem>>, %arg3: memref<2048x128xf32, #tpu.memory_space<vmem>>, %arg4: memref<128x128xf32, #tpu.memory_space<vmem>>, %arg5: memref<1x128xf32, #tpu.memory_space<vmem>>, %arg6: memref<128x128xf32, #tpu.memory_space<vmem>>, %arg7: memref<2048x128xf32, #tpu.memory_space<vmem>>) attributes {dimension_semantics = [#tpu.dimension_semantics<arbitrary>], iteration_bounds = array<i64: 5>, scalar_prefetch = 0 : i64, scratch_operands = 0 : i64, tpu.core_type = #tpu.core_type<tc>, window_params = [{transform_indices = @transform_0, window_bounds = array<i64: 2, 2048, 128>}, {transform_indices = @transform_1, window_bounds = array<i64: 32, 1, 2048>}, {transform_indices = @transform_2, window_bounds = array<i64: 2048, 128>}, {pipeline_mode = #tpu.pipeline_mode<synchronous>, transform_indices = @transform_3, window_bounds = array<i64: 128, 128>}, {pipeline_mode = #tpu.pipeline_mode<synchronous>, transform_indices = @transform_4, window_bounds = array<i64: 1, 128>}, {pipeline_mode = #tpu.pipeline_mode<synchronous>, transform_indices = @transform_5, window_bounds = array<i64: 128, 128>}, {transform_indices = @transform_6, window_bounds = array<i64: 2048, 128>}]} {
    %get3A = arith.constant 0 : index
    %get3A_0 = arith.constant 0 : index
    %get3A_1 = arith.constant 0 : index
    %get3A_2 = vector.load %arg1[%get3A, %get3A_0, %get3A_1] : memref<2x2048x128xf32, #tpu.memory_space<vmem>>, vector<1x2048x128xf32>
    %get3A_3 = vector.shape_cast %get3A_2 : vector<1x2048x128xf32> to vector<2048x128xf32>
    %get3A_4 = arith.constant 1 : index
    %get3A_5 = arith.constant 0 : index
    %get3A_6 = arith.constant 0 : index
    %get3A_7 = vector.load %arg1[%get3A_4, %get3A_5, %get3A_6] : memref<2x2048x128xf32, #tpu.memory_space<vmem>>, vector<1x2048x128xf32>
    %get3A_8 = vector.shape_cast %get3A_7 : vector<1x2048x128xf32> to vector<2048x128xf32>
    %add3A = arith.addf %get3A_3, %get3A_8 : vector<2048x128xf32>
    %get3A_9 = arith.constant 0 : index
    %get3A_10 = arith.constant 0 : index
    %get3A_11 = arith.constant 0 : index
    %get3A_12 = vector.load %arg2[%get3A_9, %get3A_10, %get3A_11] : memref<32x1x2048xf32, #tpu.memory_space<vmem>>, vector<32x1x2048xf32>
    %reduce_sum3A = arith.constant dense<0.000000e+00> : vector<2048xf32>
    %reduce_sum3A_13 = vector.multi_reduction <add>, %get3A_12, %reduce_sum3A [0, 1] : vector<32x1x2048xf32> to vector<2048xf32>
    %reshape3A = vector.shape_cast %reduce_sum3A_13 : vector<2048xf32> to vector<2048x1xf32>
    %max3A = arith.constant 1.000000e+00 : f32
    %max3A_14 = vector.broadcast %max3A : f32 to vector<2048x1xf32>
    %max3A_15 = arith.maximumf %reshape3A, %max3A_14 : vector<2048x1xf32>
    %div3A = vector.broadcast %max3A_15 : vector<2048x1xf32> to vector<2048x128xf32>
    %div3A_16 = arith.divf %add3A, %div3A : vector<2048x128xf32>
    %get3A_17 = arith.constant 0 : index
    %get3A_18 = arith.constant 0 : index
    %get3A_19 = vector.load %arg4[%get3A_17, %get3A_18] : memref<128x128xf32, #tpu.memory_space<vmem>>, vector<128x128xf32>
    %dot_general3A = arith.constant dense<0.000000e+00> : vector<2048x128xf32>
    %dot_general3A_20 = tpu.matmul %div3A_16, %get3A_19, %dot_general3A {dimension_numbers = #tpu.dot_dimension_numbers<[1], [0], [0], [1], [0, 0, 1, 1], [], []>, transpose_lhs_hint = false} : vector<2048x128xf32>, vector<128x128xf32>, vector<2048x128xf32> -> vector<2048x128xf32>
    %get3A_21 = arith.constant 0 : index
    %get3A_22 = arith.constant 0 : index
    %get3A_23 = vector.load %arg5[%get3A_21, %get3A_22] : memref<1x128xf32, #tpu.memory_space<vmem>>, vector<1x128xf32>
    %add3A_24 = vector.broadcast %get3A_23 : vector<1x128xf32> to vector<2048x128xf32>
    %add3A_25 = arith.addf %dot_general3A_20, %add3A_24 : vector<2048x128xf32>
    %get3A_26 = arith.constant 0 : index
    %get3A_27 = arith.constant 0 : index
    %get3A_28 = vector.load %arg3[%get3A_26, %get3A_27] : memref<2048x128xf32, #tpu.memory_space<vmem>>, vector<2048x128xf32>
    %get3A_29 = arith.constant 0 : index
    %get3A_30 = arith.constant 0 : index
    %get3A_31 = vector.load %arg6[%get3A_29, %get3A_30] : memref<128x128xf32, #tpu.memory_space<vmem>>, vector<128x128xf32>
    %dot_general3A_32 = arith.constant dense<0.000000e+00> : vector<2048x128xf32>
    %dot_general3A_33 = tpu.matmul %get3A_28, %get3A_31, %dot_general3A_32 {dimension_numbers = #tpu.dot_dimension_numbers<[1], [0], [0], [1], [0, 0, 1, 1], [], []>, transpose_lhs_hint = false} : vector<2048x128xf32>, vector<128x128xf32>, vector<2048x128xf32> -> vector<2048x128xf32>
    %add3A_34 = arith.addf %add3A_25, %dot_general3A_33 : vector<2048x128xf32>
    %max3A_35 = arith.constant 0.000000e+00 : f32
    %max3A_36 = vector.broadcast %max3A_35 : f32 to vector<2048x128xf32>
    %max3A_37 = arith.maximumf %add3A_34, %max3A_36 : vector<2048x128xf32>
    %swap3A = arith.constant 0 : index
    %swap3A_38 = arith.constant 0 : index
    %swap3A_39 = vector.load %arg7[%swap3A, %swap3A_38] : memref<2048x128xf32, #tpu.memory_space<vmem>>, vector<2048x128xf32>
    tpu.vector_store %arg7[%swap3A, %swap3A_38], %max3A_37 {strides = array<i32>} : memref<2048x128xf32, #tpu.memory_space<vmem>>, vector<2048x128xf32>,
    return
  }
  func.func @transform_0(%arg0: i32) -> (i32, i32, i32) {
    %c0_i32 = arith.constant 0 : i32
    %c0_i32_0 = arith.constant 0 : i32
    %c0_i32_1 = arith.constant 0 : i32
    return %c0_i32, %arg0, %c0_i32_0 : i32, i32, i32
  }
  func.func @transform_1(%arg0: i32) -> (i32, i32, i32) {
    %c0_i32 = arith.constant 0 : i32
    %c0_i32_0 = arith.constant 0 : i32
    %c0_i32_1 = arith.constant 0 : i32
    return %c0_i32, %c0_i32_0, %arg0 : i32, i32, i32
  }
  func.func @transform_2(%arg0: i32) -> (i32, i32) {
    %c0_i32 = arith.constant 0 : i32
    %c0_i32_0 = arith.constant 0 : i32
    return %arg0, %c0_i32 : i32, i32
  }
  func.func @transform_3(%arg0: i32) -> (i32, i32) {
    %c0_i32 = arith.constant 0 : i32
    %c0_i32_0 = arith.constant 0 : i32
    %c0_i32_1 = arith.constant 0 : i32
    return %c0_i32, %c0_i32_0 : i32, i32
  }
  func.func @transform_4(%arg0: i32) -> (i32, i32) {
    %c0_i32 = arith.constant 0 : i32
    %c0_i32_0 = arith.constant 0 : i32
    %c0_i32_1 = arith.constant 0 : i32
    return %c0_i32, %c0_i32_0 : i32, i32
  }
  func.func @transform_5(%arg0: i32) -> (i32, i32) {
    %c0_i32 = arith.constant 0 : i32
    %c0_i32_0 = arith.constant 0 : i32
    %c0_i32_1 = arith.constant 0 : i32
    return %c0_i32, %c0_i32_0 : i32, i32
  }
  func.func @transform_6(%arg0: i32) -> (i32, i32) {
    %c0_i32 = arith.constant 0 : i32
    %c0_i32_0 = arith.constant 0 : i32
    return %arg0, %c0_i32 : i32, i32
  }
}

module attributes {stable_mosaic.version = 14 : i64} {
  func.func @body(%arg0: i32, %arg1: memref<2x2048x128xf32, #tpu.memory_space<vmem>>, %arg2: memref<32x1x2048xf32, #tpu.memory_space<vmem>>, %arg3: memref<2048x128xf32, #tpu.memory_space<vmem>>, %arg4: memref<128x128xf32, #tpu.memory_space<vmem>>, %arg5: memref<1x128xf32, #tpu.memory_space<vmem>>, %arg6: memref<128x128xf32, #tpu.memory_space<vmem>>, %arg7: memref<2048x128xf32, #tpu.memory_space<vmem>>) attributes {dimension_semantics = [#tpu.dimension_semantics<arbitrary>], iteration_bounds = array<i64: 5>, scalar_prefetch = 0 : i64, scratch_operands = 0 : i64, tpu.core_type = #tpu.core_type<tc>, window_params = [{transform_indices = @transform_0, window_bounds = array<i64: 2, 2048, 128>}, {transform_indices = @transform_1, window_bounds = array<i64: 32, 1, 2048>}, {transform_indices = @transform_2, window_bounds = array<i64: 2048, 128>}, {pipeline_mode = #tpu.pipeline_mode<synchronous>, transform_indices = @transform_3, window_bounds = array<i64: 128, 128>}, {pipeline_mode = #tpu.pipeline_mode<synchronous>, transform_indices = @transform_4, window_bounds = array<i64: 1, 128>}, {pipeline_mode = #tpu.pipeline_mode<synchronous>, transform_indices = @transform_5, window_bounds = array<i64: 128, 128>}, {transform_indices = @transform_6, window_bounds = array<i64: 2048, 128>}]} {
    %get3A = arith.constant 0 : index
    %get3A_0 = arith.constant 0 : index
    %get3A_1 = arith.constant 0 : index
    %get3A_2 = vector.load %arg1[%get3A, %get3A_0, %get3A_1] : memref<2x2048x128xf32, #tpu.memory_space<vmem>>, vector<1x2048x128xf32>
    %get3A_3 = vector.shape_cast %get3A_2 : vector<1x2048x128xf32> to vector<2048x128xf32>
    %get3A_4 = arith.constant 1 : index
    %get3A_5 = arith.constant 0 : index
    %get3A_6 = arith.constant 0 : index
    %get3A_7 = vector.load %arg1[%get3A_4, %get3A_5, %get3A_6] : memref<2x2048x128xf32, #tpu.memory_space<vmem>>, vector<1x2048x128xf32>
    %get3A_8 = vector.shape_cast %get3A_7 : vector<1x2048x128xf32> to vector<2048x128xf32>
    %add3A = arith.addf %get3A_3, %get3A_8 : vector<2048x128xf32>
    %get3A_9 = arith.constant 0 : index
    %get3A_10 = arith.constant 0 : index
    %get3A_11 = arith.constant 0 : index
    %get3A_12 = vector.load %arg2[%get3A_9, %get3A_10, %get3A_11] : memref<32x1x2048xf32, #tpu.memory_space<vmem>>, vector<32x1x2048xf32>
    %reduce_sum3A = arith.constant dense<0.000000e+00> : vector<2048xf32>
    %reduce_sum3A_13 = vector.multi_reduction <add>, %get3A_12, %reduce_sum3A [0, 1] : vector<32x1x2048xf32> to vector<2048xf32>
    %reshape3A = vector.shape_cast %reduce_sum3A_13 : vector<2048xf32> to vector<2048x1xf32>
    %max3A = arith.constant 1.000000e+00 : f32
    %max3A_14 = vector.broadcast %max3A : f32 to vector<2048x1xf32>
    %max3A_15 = arith.maximumf %reshape3A, %max3A_14 : vector<2048x1xf32>
    %div3A = vector.broadcast %max3A_15 : vector<2048x1xf32> to vector<2048x128xf32>
    %div3A_16 = arith.divf %add3A, %div3A : vector<2048x128xf32>
    %get3A_17 = arith.constant 0 : index
    %get3A_18 = arith.constant 0 : index
    %get3A_19 = vector.load %arg4[%get3A_17, %get3A_18] : memref<128x128xf32, #tpu.memory_space<vmem>>, vector<128x128xf32>
    %dot_general3A = arith.constant dense<0.000000e+00> : vector<2048x128xf32>
    %dot_general3A_20 = tpu.matmul %div3A_16, %get3A_19, %dot_general3A {dimension_numbers = #tpu.dot_dimension_numbers<[1], [0], [0], [1], [0, 0, 1, 1], [], []>, transpose_lhs_hint = false} : vector<2048x128xf32>, vector<128x128xf32>, vector<2048x128xf32> -> vector<2048x128xf32>
    %get3A_21 = arith.constant 0 : index
    %get3A_22 = arith.constant 0 : index
    %get3A_23 = vector.load %arg5[%get3A_21, %get3A_22] : memref<1x128xf32, #tpu.memory_space<vmem>>, vector<1x128xf32>
    %add3A_24 = vector.broadcast %get3A_23 : vector<1x128xf32> to vector<2048x128xf32>
    %add3A_25 = arith.addf %dot_general3A_20, %add3A_24 : vector<2048x128xf32>
    %get3A_26 = arith.constant 0 : index
    %get3A_27 = arith.constant 0 : index
    %get3A_28 = vector.load %arg3[%get3A_26, %get3A_27] : memref<2048x128xf32, #tpu.memory_space<vmem>>, vector<2048x128xf32>
    %get3A_29 = arith.constant 0 : index
    %get3A_30 = arith.constant 0 : index
    %get3A_31 = vector.load %arg6[%get3A_29, %get3A_30] : memref<128x128xf32, #tpu.memory_space<vmem>>, vector<128x128xf32>
    %dot_general3A_32 = arith.constant dense<0.000000e+00> : vector<2048x128xf32>
    %dot_general3A_33 = tpu.matmul %get3A_28, %get3A_31, %dot_general3A_32 {dimension_numbers = #tpu.dot_dimension_numbers<[1], [0], [0], [1], [0, 0, 1, 1], [], []>, transpose_lhs_hint = false} : vector<2048x128xf32>, vector<128x128xf32>, vector<2048x128xf32> -> vector<2048x128xf32>
    %add3A_34 = arith.addf %add3A_25, %dot_general3A_33 : vector<2048x128xf32>
    %swap3A = arith.constant 0 : index
    %swap3A_35 = arith.constant 0 : index
    %swap3A_36 = vector.load %arg7[%swap3A, %swap3A_35] : memref<2048x128xf32, #tpu.memory_space<vmem>>, vector<2048x128xf32>
    tpu.vector_store %arg7[%swap3A, %swap3A_35], %add3A_34 {strides = array<i32>} : memref<2048x128xf32, #tpu.memory_space<vmem>>, vector<2048x128xf32>,
    return
  }
  func.func @transform_0(%arg0: i32) -> (i32, i32, i32) {
    %c0_i32 = arith.constant 0 : i32
    %c0_i32_0 = arith.constant 0 : i32
    %c0_i32_1 = arith.constant 0 : i32
    return %c0_i32, %arg0, %c0_i32_0 : i32, i32, i32
  }
  func.func @transform_1(%arg0: i32) -> (i32, i32, i32) {
    %c0_i32 = arith.constant 0 : i32
    %c0_i32_0 = arith.constant 0 : i32
    %c0_i32_1 = arith.constant 0 : i32
    return %c0_i32, %c0_i32_0, %arg0 : i32, i32, i32
  }
  func.func @transform_2(%arg0: i32) -> (i32, i32) {
    %c0_i32 = arith.constant 0 : i32
    %c0_i32_0 = arith.constant 0 : i32
    return %arg0, %c0_i32 : i32, i32
  }
  func.func @transform_3(%arg0: i32) -> (i32, i32) {
    %c0_i32 = arith.constant 0 : i32
    %c0_i32_0 = arith.constant 0 : i32
    %c0_i32_1 = arith.constant 0 : i32
    return %c0_i32, %c0_i32_0 : i32, i32
  }
  func.func @transform_4(%arg0: i32) -> (i32, i32) {
    %c0_i32 = arith.constant 0 : i32
    %c0_i32_0 = arith.constant 0 : i32
    %c0_i32_1 = arith.constant 0 : i32
    return %c0_i32, %c0_i32_0 : i32, i32
  }
  func.func @transform_5(%arg0: i32) -> (i32, i32) {
    %c0_i32 = arith.constant 0 : i32
    %c0_i32_0 = arith.constant 0 : i32
    %c0_i32_1 = arith.constant 0 : i32
    return %c0_i32, %c0_i32_0 : i32, i32
  }
  func.func @transform_6(%arg0: i32) -> (i32, i32) {
    %c0_i32 = arith.constant 0 : i32
    %c0_i32_0 = arith.constant 0 : i32
    return %arg0, %c0_i32 : i32, i32
  }
}

</mosaic_0001>

<sc_bundles>
// kernel: kernel.6.cloned.1.call-start
scs
__scs_entry_jumppad:
0x0: {  	(pc) =	sbr.rel $0x88, $3  }
0x1: {  	(tag) =	ssettag $0x0;
	lr =	simm.s32 $0x1  }
0x2: {  	[smem:$0x3F99] =	sst lr;
	_ =	strace $0xD0000000  }
0x3: {  	_ = 	snop  }
0x4: {  	_ = 	snop  }
0x5: {  	_ = 	snop  }
0x6: {  	_ = 	snop  }
0x7: {  	_ = 	snop  }
__scs_overlays_trampoline_lowered:
0x8: {  	[smem:$0x3FA8] =	sst s0  }
0x9: {  	[smem:$0x3FA9] =	sst s1  }
0xa: {  	[smem:$0x3FAA] =	sst s2  }
0xb: {  	[smem:$0x3FAB] =	sst s3  }
0xc: {  	[smem:$0x3FAC] =	sst s4  }
0xd: {  	[smem:$0x3FAD] =	sst s5  }
0xe: {  	[smem:$0x3FAE] =	sst s6  }
0xf: {  	[smem:$0x3FAF] =	sst s7  }
0x10: {  	[smem:$0x3FB0] =	sst s8  }
0x11: {  	[smem:$0x3FB1] =	sst s9;
	s0 =	simm.s32 @!p0 $0x0  }
0x12: {  	s1 =	sld [smem:$0x3F97];
	s0 =	simm.s32 @p0 $0x1  }
0x13: {  	[smem:$0x3FB2] =	sst s0;
	s0 =	simm.s32 @!p1 $0x0  }
0x14: {  	s2 =	sld [smem:$0x3F96];
	s0 =	simm.s32 @p1 $0x1  }
0x15: {  	[smem:$0x3FB3] =	sst s0;
	s0 =	simm.s32 @!p2 $0x0  }
0x16: {  	s3 =	sld [smem:$0x3FDB];
	s0 =	simm.s32 @p2 $0x1  }
0x17: {  	s4 =	simm.s32 $0x1BF5;
	[smem:$0x3FB5] =	sst s0  }
0x18: {  	s0 =	sld [smem:$0x3F98];
	_ =	swait.ge [sflag:s4], $0x0  }
0x19: {  	s7 =	sld [smem:$0x3F99]  }
0x1a: {  	s8 =	sadd.s32 $0xFFFFE003, lr  }
0x1b: {  	s9 =	sadd.s32 $0xFFFFFEF7, lr;
	s5 =	simm.s32 $0xFFFFFFFF;
	p2 =	slt.u32 s8, $0xFFFFF086  }
0x1c: {  	p1 =	slt.u32 s9, $0xF7A;
	s5 =	simm.s32 @!p2 $0x0  }
0x1d: {  	s5 =	simm.s32 @p1 $0x1;
	p0 =	seq.s32 s7, s2  }
0x1e: {  	s7 =	smul.u32 @!p0 $0xF7A, s2;
	p2 =	seq.s32 @!p0 s5, $0x0  }
0x1f: {  	s9 =	smul.u32 $0xF7A, s1;
	s8 =	simm.s32 @!p0 $0x1BF5;
	p2 =	por !p2, p0  }
0x20: {  	[sflag:s8] =	ssyncset.s32 @!p0 $0xFFFFF086;
	s6 =	sadd.s32 @!p0 s3, s7;
	s7 =	simm.s32 @!p0 $0x108  }
0x21: {  	s3 =	sadd.s32 s3, s9;
	s6 =	sadd.s32 @!p0 $0x88, s6;
	s7 =	simm.s32 @p2 $0x1082  }
0x22: {  	[simem:s7], [sflag:s8] =	dma.local @!p0 [hbm:s6], $0xF7A  }
0x23: {  	s9 =	sor.u32 $0xD0000000, s2;
	s6 =	simm.s32 $0x108;
	_ =	swait.ge @!p0 [sflag:s8], $0x0  }
0x24: {  	s3 =	sadd.s32 $0x88, s3;
	s6 =	simm.s32 @!p1 $0x1082;
	[sflag:s4] =	ssyncset.s32 $0xFFFFF086  }
0x25: {  	[simem:s6], [sflag:s4] =	dma.local [hbm:s3], $0xF7A  }
0x26: {  	[smem:$0x3F99] =	sst s1;
	(tag) =	ssettag s2;
	_ =	strace s9  }
0x27: {  	s1 =	sld [smem:$0x3FA9]  }
0x28: {  	s2 =	sld [smem:$0x3FAA]  }
0x29: {  	s4 =	sld [smem:$0x3FAC]  }
0x2a: {  	p0 =	seq.s32 s5, $0x0;
	s5 =	sld [smem:$0x3FAD]  }
0x2b: {  	s6 =	sld [smem:$0x3FAE]  }
0x2c: {  	s7 =	sld [smem:$0x3FAF]  }
0x2d: {  	s3 =	simm.s32 $0x108;
	s8 =	sld [smem:$0x3FB0]  }
0x2e: {  	s3 =	simm.s32 @!p0 $0x1082;
	s9 =	sld [smem:$0x3FB1]  }
0x2f: {  	lr =	sadd.s32 s0, s3;
	s0 =	sld [smem:$0x3FA8]  }
0x30: {  	s3 =	sld [smem:$0x3FAB]  }
0x31: {  	[smem:$0x3FB4] =	sst s10  }
0x32: {  	s10 =	sld [smem:$0x3FB2];
	_ =	sdelay $0x3  }
0x33: {  	p0 =	seq.s32 s10, $0x1;
	s10 =	sld [smem:$0x3FB4];
	_ =	sdelay $0x3  }
0x34: {  	[smem:$0x3FB4] =	sst s10  }
0x35: {  	s10 =	sld [smem:$0x3FB3];
	_ =	sdelay $0x3  }
0x36: {  	p1 =	seq.s32 s10, $0x1;
	s10 =	sld [smem:$0x3FB4];
	_ =	sdelay $0x3  }
0x37: {  	[smem:$0x3FB4] =	sst s10  }
0x38: {  	s10 =	sld [smem:$0x3FB5]  }
0x39: {  	_ = 	snop;
	(pc) =	sbr.ind lr, $3  }
0x3a: {  	_ = 	snop  }
0x3b: {  	_ = 	snop  }
0x3c: {  	p2 =	seq.s32 s10, $0x1;
	s10 =	sld [smem:$0x3FB4]  }
0x3d: {  	_ =	shalt  }
0x3e: {  	_ =	shalt  }
0x3f: {  	_ =	shalt  }
0x40: {  	_ =	shalt  }
0x41: {  	_ =	shalt  }
0x42: {  	_ =	shalt  }
0x43: {  	_ =	shalt  }
0x44: {  	_ =	shalt  }
0x45: {  	_ =	shalt  }
0x46: {  	_ =	shalt  }
0x47: {  	_ =	shalt  }
0x48: {  	_ =	shalt  }
0x49: {  	_ =	shalt  }
0x4a: {  	_ =	shalt  }
0x4b: {  	_ =	shalt  }
0x4c: {  	_ =	shalt  }
0x4d: {  	_ =	shalt  }
0x4e: {  	_ =	shalt  }
0x4f: {  	_ =	shalt  }
0x50: {  	_ =	shalt  }
0x51: {  	_ =	shalt  }
0x52: {  	_ =	shalt  }
0x53: {  	_ =	shalt  }
0x54: {  	_ =	shalt  }
0x55: {  	_ =	shalt  }
0x56: {  	_ =	shalt  }
0x57: {  	_ =	shalt  }
0x58: {  	_ =	shalt  }
0x59: {  	_ =	shalt  }
0x5a: {  	_ =	shalt  }
0x5b: {  	_ =	shalt  }
0x5c: {  	_ =	shalt  }
0x5d: {  	_ =	shalt  }
0x5e: {  	_ =	shalt  }
0x5f: {  	_ =	shalt  }
0x60: {  	_ =	shalt  }
0x61: {  	_ =	shalt  }
0x62: {  	_ =	shalt  }
0x63: {  	_ =	shalt  }
0x64: {  	_ =	shalt  }
0x65: {  	_ =	shalt  }
0x66: {  	_ =	shalt  }
0x67: {  	_ =	shalt  }
0x68: {  	_ =	shalt  }
0x69: {  	_ =	shalt  }
0x6a: {  	_ =	shalt  }
0x6b: {  	_ =	shalt  }
0x6c: {  	_ =	shalt  }
0x6d: {  	_ =	shalt  }
0x6e: {  	_ =	shalt  }
0x6f: {  	_ =	shalt  }
0x70: {  	_ =	shalt  }
0x71: {  	_ =	shalt  }
0x72: {  	_ =	shalt  }
0x73: {  	_ =	shalt  }
0x74: {  	_ =	shalt  }
0x75: {  	_ =	shalt  }
0x76: {  	_ =	shalt  }
0x77: {  	_ =	shalt  }
0x78: {  	_ =	shalt  }
0x79: {  	_ =	shalt  }
0x7a: {  	_ =	shalt  }
0x7b: {  	_ =	shalt  }
0x7c: {  	_ =	shalt  }
0x7d: {  	_ =	shalt  }
0x7e: {  	_ =	shalt  }
0x7f: {  	_ =	shalt  }
0x80: {  	_ =	shalt  }
0x81: {  	_ =	shalt  }
0x82: {  	_ =	shalt  }
0x83: {  	_ =	shalt  }
0x84: {  	_ =	shalt  }
0x85: {  	_ =	shalt  }
0x86: {  	_ =	shalt  }
0x87: {  	_ =	shalt  }
.Lfunc_end0:
.L_simem_size_0:
called_computation_lowered:
.L_overlay_start_0:
0x88: {  	s2 =	sld [smem:$0x3FD9]  }
0x89: {  	s3 =	sld [smem:$0x3FFE];
	_ =	sdelay $0x1  }
0x8a: {  	s1 =	srdreg.scid  }
0x8b: {  	s0 =	sand.u32 $0x1, s1  }
0x8c: {  	s17 =	sshll.u32 s0, $0xA;
	s2 =	sadd.s32 s3, s2  }
0x8d: {  	s2 =	sadd.s32 s2, s17  }
0x8e: {  	[smem:$0x3FC0] =	sst s2  }
0x8f: {  	_ = 	snop  }
0x90: {  	s2 =	sld [smem:$0x3FC9]  }
0x91: {  	s18 =	sld [smem:$0x3FD0];
	(tm) =	ssettm $0x1  }
0x92: {  	s4 =	sld [smem:$0x3FFB];
	_ =	sdelay $0x3  }
0x93: {  	_ =	strace s4  }
0x94: {  	s4 =	sld [smem:$0x3FFC];
	_ =	sdelay $0x3  }
0x95: {  	_ =	strace s4  }
0x96: {  	s4 =	sld [smem:$0x3FFD];
	_ =	sdelay $0x3  }
0x97: {  	_ =	strace s4  }
0x98: {  	_ =	strace $0x8FFFFFFF  }
0x99: {  	s19 =	sld [smem:$0x3FDB];
	_ =	sdelay $0x1  }
0x9a: {  	s5 =	simm.s32 $_scs_section_size  }
0x9b: {  	s6 =	simm.s32 $_size__tile_overlayer_lowered;
	s7 =	simm.s32 $_tile_overlayer_lowered  }
0x9c: {  	s22 =	simm.s32 $0x1BFF;
	s21 =	sshll.u32 s7, $0x1;
	s4 =	sadd.s32 s5, s19  }
0x9d: {  	s8 =	simm.s32 $0x0;
	s20 =	sshll.u32 s6, $0x1;
	s6 =	sadd.s32 s21, s4  }
0x9e: {  	[timem:s8], [sflag:s22] =	dma.local [hbm:s6], s20  }
0x9f: {  	_ =	swait.ge [sflag:s22], s20  }
0xa0: {  	s5 =	ssub.s32 $0x0, s20;
	[sflag:s22] =	ssyncset.done $0x0  }
0xa1: {  	[sflag:s22] =	ssyncadd.s32 s5;
	_ =	sdelay $0x1  }
0xa2: {  	s23 =	simm.s32 $0x1B8B  }
0xa3: {  	_ =	swait.ge [sflag:s23], $0x1  }
0xa4: {  	[sflag:s23] =	ssyncset.done $0x0  }
0xa5: {  	s25 =	simm.s32 $0x1B8E;
	s24 =	sld [smem:$0x3FFE];
	[sflag:s23] =	ssyncadd.s32 $0xFFFFFFFF  }
0xa6: {  	s26 =	simm.s32 $execute0_lowered;
	[smem:$0x3FD2] =	sst s25  }
0xa7: {  	s6 =	sshll.u32 s26, $0x1;
	_ =	strace $0x80000046;
	[dreg:$0x1] =	wrdreg $0xFFFFFFFF  }
0xa8: {  	s28 =	simm.s32 $_size_execute0_lowered;
	s4 =	sadd.s32 s4, s6;
	[dreg:$0x0] =	wrdreg $0x0  }
0xa9: {  	s6 =	sshll.u32 s28, $0x1;
	[dreg:$0x2] =	wrdreg s4  }
0xaa: {  	[dreg:$0x3] =	wrdreg s6  }
0xab: {  	[dreg:$0x4] =	wrdreg $0xC0  }
0xac: {  	_ =	task [dreg:s8], $0x5FFFF  }
0xad: {  	[dreg:$0x1] =	wrdreg $0xFFFFFFFF  }
0xae: {  	[dreg:$0x0] =	wrdreg $0x60  }
0xaf: {  	[dreg:$0x2] =	wrdreg s2  }
0xb0: {  	[dreg:$0x3] =	wrdreg s24  }
0xb1: {  	[dreg:$0x4] =	wrdreg s18  }
0xb2: {  	[dreg:$0x5] =	wrdreg $0x51000  }
0xb3: {  	[dreg:$0x6] =	wrdreg $0x9  }
0xb4: {  	_ =	task.clear_ibuf [dreg:s8], $0x7FFFF;
	_ =	strace $0x90000046  }
0xb5: {  	s29 =	simm.s32 $0x9;
	_ =	strace $0x80000048  }
0xb6: {  	_ =	swait.ge [sflag:s29], $0x1  }
0xb7: {  	[sflag:s29] =	ssyncadd.s32 $0xFFFFFFFF  }
0xb8: {  	_ =	strace $0x90000048  }
0xb9: {  	_ =	sfence  }
0xba: {  	s30 =	sld [smem:$0x0];
	_ =	sdelay $0x2  }
0xbb: {  	s31 =	sshll.u32 s1, $0xD;
	s1 =	sshrl.u32 s1, $0x2  }
0xbc: {  	s3 =	sand.u32 $0x4000, s31;
	s1 =	sadd.s32 s1, s30  }
0xbd: {  	s0 =	sor.u32 s3, s0;
	s1 =	sshll.u32 s1, $0x11  }
0xbe: {  	s0 =	sor.u32 s1, s0  }
0xbf: {  	s0 =	sadd.s32 $0x8F2B, s0  }
0xc0: {  	[sflag:s0] =	ssyncadd.remote.s32 $0x1  }
0xc1: {  	_ =	sfence.sel $0xFFFF  }
0xc2: {  	[dreg:$0x0] =	wrdreg $0xFFFFFFFF;
	(pc) =	sbr.abs _section_cstart, $3  }
0xc3: {  	[dreg:$0x1] =	wrdreg $0xFFFFFFFF  }
0xc4: {  	_ =	task.clear_ibuf [dreg:s8], $0x2FFFF;
	_ =	strace $0x9FFFFFFF  }
0xc5: {  	(tm) =	ssettm $0x7FFFFFFF  }
tec
execute0_lowered:
.L_overlay_start_1:
0x0: {  	(tag) =	ssettag $0x1  }
0x1: {  	s0 =	rddreg [dreg:$0x0]  }
0x2: {  	s7 =	rddreg [dreg:$0x1]  }
0x3: {  	s8 =	rddreg [dreg:$0x2]  }
0x4: {  	s1 =	srdreg.scid;
	s3 =	rddreg [dreg:$0x3]  }
0x5: {  	s2 =	rddreg [dreg:$0x4];
	s4 =	simm.s32 $0x0;
	s9 =	sand.u32 $0x1, s1  }
0x6: {  	s15 =	simm.s32 $0x2900;
	s1 =	stileid.u32;
	s5 =	smul.u32 $0x27100, s9  }
0x7: {  	s16 =	simm.s32 $0x80;
	s17 =	simm.s32 $0x50;
	s6 =	smul.u32 $0x2710, s1  }
0x8: {  	s18 =	simm.s32 $0x100;
	s19 =	simm.s32 $0x1;
	s10 =	smul.u32 $0x140000, s9  }
0x9: {  	s20 =	simm.s32 $0x0;
	[smem:$0x7FF] =	sst s4;
	s28 =	smul.u32 $0x14000, s1  }
0xa: {  	_ =	strace $0x80000047;
	s11 =	sshll.u32 s9, $0x4;
	s9 =	ssub.s32 $0x2, s9  }
0xb: {  	s13 =	smul.u32 $0x50000, s1;
	s31 =	sshll.u32 s1, $0x6;
	s11 =	sor.u32 s1, s11  }
0xc: {  	s29 =	sshrl.u32 s9, $0x1;
	s5 =	sadd.s32 s6, s5;
	s10 =	sadd.s32 s28, s10  }
0xd: {  	v0 =	vimm.f32 $1.000000000e+00;
	s6 =	sadd.s32 $0x16000, s7;
	s11 =	smul.u32 $0x500, s11;
	s14 =	ssub.s32 s9, s29  }
0xe: {  	vm0 =	vcmask $0x704;
	vm1 =	vcmask $0xB08;
	vm2 =	vcmask $0xF0C;
	s30 =	sshrl.u32 s13, $0x2;
	s5 =	sshrl.u32 s5, $0x3;
	s10 =	sshrl.u32 s10, $0x3  }
0xf: {  	vm3 =	vcmask $0x1310;
	vm4 =	vcmask $0x1714;
	vm5 =	vcmask $0x1B18;
	s13 =	sadd.s32 s30, s3;
	s12 =	sadd.s32 s5, s7;
	s5 =	sadd.s32 $0x16600, s7  }
0x10: {  	vm6 =	vcmask $0x1F1C;
	vm7 =	vcmask $0x2320;
	vm8 =	vcmask $0x2724;
	s10 =	sadd.s32 s10, s7;
	s7 =	sor.u32 $0x1C02, s31;
	s8 =	sadd.s32 s8, s11  }
0x11: {  	vm9 =	vcmask $0x2B28;
	vm10 =	vcmask $0x2F2C;
	vm11 =	vcmask $0x3330;
	s13 =	sshrl.u32 s13, $0x3;
	s9 =	sadd.s32 $0x18E00, s10;
	s10 =	smax.u32 s14, $0x1  }
0x12: {  	vm12 =	vcmask $0x3734;
	vm13 =	vcmask $0x3B38;
	vm14 =	vcmask $0x3F3C;
	s11 =	sadd.s32 $0x2400, s12;
	s12 =	sadd.s32 $0xC200, s12;
	s14 =	simm.s32 $0x2  }
.LBB2_1:
0x13: {  	[spmem:s13], [sflag:s7] =	dma.local [hbm:s5], $0x2800  }
0x14: {  	_ =	swait.ge [sflag:s14], $0x2800  }
0x15: {  	[sflag:s14] =	ssyncset.done $0x0  }
0x16: {  	[sflag:s14] =	ssyncadd.s32 $0xFFFFD800  }
0x17: {  	[tilespmem:s15], [sflag:$0x2] =	stream.linear.gather [hbm4b:s6+s4], $0x2800, $0x38;
	[tilespmem:$0x19100] =	vst v63  }
0x18: {  	_ =	swait.ge [sflag:s14], $0x2800  }
0x19: {  	[sflag:s14] =	ssyncset.done $0x0  }
0x1a: {  	[sflag:s14] =	ssyncadd.s32 $0xFFFFD800  }
0x1b: {  	s21 =	simm.s32 $0x0;
	[bflag:$0x0] =	sbarrier.arrive $0xFFFF  }
.LBB2_2:
0x1c: {  	s22 =	sadd.s32 s21, s12  }
0x1d: {  	[tilespmem:s4], [sflag:$0x2] =	stream.linear.gather [hbm4b:s22+s4], $0x50, $0x38;
	[tilespmem:$0x19100] =	vst v63  }
0x1e: {  	_ =	swait.ge [sflag:s14], $0x50  }
0x1f: {  	[sflag:s14] =	ssyncset.done $0x0  }
0x20: {  	s31 =	sadd.s32 s21, s11;
	[sflag:s14] =	ssyncadd.s32 $0xFFFFFFB0  }
0x21: {  	[tilespmem:s16], [sflag:$0x2] =	stream.linear.gather [hbm4b:s31+s4], $0x50, $0x38;
	[tilespmem:$0x19100] =	vst v63  }
0x22: {  	_ =	swait.ge [sflag:s14], $0x50  }
0x23: {  	[sflag:s14] =	ssyncset.done $0x0  }
0x24: {  	[sflag:s14] =	ssyncadd.s32 $0xFFFFFFB0  }
0x25: {  	[tilespmem:s18], [sflag:$0x1] =	stream.indirect.gather [hbm4b:s0+s17], $0x80, s4, s17, $0xb8;
	[tilespmem:$0x19100] =	vst v63  }
0x26: {  	_ =	swait.ge [sflag:s19], $0x2800  }
0x27: {  	[sflag:s19] =	ssyncset.done $0x0  }
0x28: {  	[sflag:s19] =	ssyncadd.s32 $0xFFFFD800  }
0x29: {  	[spmem:s3] =	stream.indirect.scatter.add.f32 [tilespmem:s18], [sflag:$0x2], $0x80, s16, s17, $0xb8;
	[tilespmem:$0x19100] =	vst v63  }
0x2a: {  	_ =	swait.ge [sflag:s14], $0x2800  }
0x2b: {  	[sflag:s14] =	ssyncset.done $0x0  }
0x2c: {  	[sflag:s14] =	ssyncadd.s32 $0xFFFFD800  }
0x2d: {  	v1 =	vld [tilespmem:$0x80];
	_ =	sdelay $0x7  }
0x2e: {  	[tilespmem:v1+s15+$0x0] =	vst.idx.add.f32.msk $0x1, v0  }
0x2f: {  	[tilespmem:v1+s15+$0x0] =	vst.idx.add.f32.msk vm0, v0  }
0x30: {  	[tilespmem:v1+s15+$0x0] =	vst.idx.add.f32.msk vm1, v0  }
0x31: {  	[tilespmem:v1+s15+$0x0] =	vst.idx.add.f32.msk vm2, v0  }
0x32: {  	[tilespmem:v1+s15+$0x0] =	vst.idx.add.f32.msk vm3, v0  }
0x33: {  	[tilespmem:v1+s15+$0x0] =	vst.idx.add.f32.msk vm4, v0  }
0x34: {  	[tilespmem:v1+s15+$0x0] =	vst.idx.add.f32.msk vm5, v0  }
0x35: {  	[tilespmem:v1+s15+$0x0] =	vst.idx.add.f32.msk vm6, v0  }
0x36: {  	[tilespmem:v1+s15+$0x0] =	vst.idx.add.f32.msk vm7, v0  }
0x37: {  	[tilespmem:v1+s15+$0x0] =	vst.idx.add.f32.msk vm8, v0  }
0x38: {  	[tilespmem:v1+s15+$0x0] =	vst.idx.add.f32.msk vm9, v0  }
0x39: {  	[tilespmem:v1+s15+$0x0] =	vst.idx.add.f32.msk vm10, v0  }
0x3a: {  	[tilespmem:v1+s15+$0x0] =	vst.idx.add.f32.msk vm11, v0  }
0x3b: {  	[tilespmem:v1+s15+$0x0] =	vst.idx.add.f32.msk vm12, v0  }
0x3c: {  	[tilespmem:v1+s15+$0x0] =	vst.idx.add.f32.msk vm13, v0  }
0x3d: {  	[tilespmem:v1+s15+$0x0] =	vst.idx.add.f32.msk vm14, v0  }
0x3e: {  	v1 =	vld [tilespmem:$0x90];
	_ =	sdelay $0x7  }
0x3f: {  	[tilespmem:v1+s15+$0x0] =	vst.idx.add.f32.msk $0x1, v0  }
0x40: {  	[tilespmem:v1+s15+$0x0] =	vst.idx.add.f32.msk vm0, v0  }
0x41: {  	[tilespmem:v1+s15+$0x0] =	vst.idx.add.f32.msk vm1, v0  }
0x42: {  	[tilespmem:v1+s15+$0x0] =	vst.idx.add.f32.msk vm2, v0  }
0x43: {  	[tilespmem:v1+s15+$0x0] =	vst.idx.add.f32.msk vm3, v0  }
0x44: {  	[tilespmem:v1+s15+$0x0] =	vst.idx.add.f32.msk vm4, v0  }
0x45: {  	[tilespmem:v1+s15+$0x0] =	vst.idx.add.f32.msk vm5, v0  }
0x46: {  	[tilespmem:v1+s15+$0x0] =	vst.idx.add.f32.msk vm6, v0  }
0x47: {  	[tilespmem:v1+s15+$0x0] =	vst.idx.add.f32.msk vm7, v0  }
0x48: {  	[tilespmem:v1+s15+$0x0] =	vst.idx.add.f32.msk vm8, v0  }
0x49: {  	[tilespmem:v1+s15+$0x0] =	vst.idx.add.f32.msk vm9, v0  }
0x4a: {  	[tilespmem:v1+s15+$0x0] =	vst.idx.add.f32.msk vm10, v0  }
0x4b: {  	[tilespmem:v1+s15+$0x0] =	vst.idx.add.f32.msk vm11, v0  }
0x4c: {  	[tilespmem:v1+s15+$0x0] =	vst.idx.add.f32.msk vm12, v0  }
0x4d: {  	[tilespmem:v1+s15+$0x0] =	vst.idx.add.f32.msk vm13, v0  }
0x4e: {  	[tilespmem:v1+s15+$0x0] =	vst.idx.add.f32.msk vm14, v0  }
0x4f: {  	v1 =	vld [tilespmem:$0xA0];
	_ =	sdelay $0x7  }
0x50: {  	[tilespmem:v1+s15+$0x0] =	vst.idx.add.f32.msk $0x1, v0  }
0x51: {  	[tilespmem:v1+s15+$0x0] =	vst.idx.add.f32.msk vm0, v0  }
0x52: {  	[tilespmem:v1+s15+$0x0] =	vst.idx.add.f32.msk vm1, v0  }
0x53: {  	[tilespmem:v1+s15+$0x0] =	vst.idx.add.f32.msk vm2, v0  }
0x54: {  	[tilespmem:v1+s15+$0x0] =	vst.idx.add.f32.msk vm3, v0  }
0x55: {  	[tilespmem:v1+s15+$0x0] =	vst.idx.add.f32.msk vm4, v0  }
0x56: {  	[tilespmem:v1+s15+$0x0] =	vst.idx.add.f32.msk vm5, v0  }
0x57: {  	[tilespmem:v1+s15+$0x0] =	vst.idx.add.f32.msk vm6, v0  }
0x58: {  	[tilespmem:v1+s15+$0x0] =	vst.idx.add.f32.msk vm7, v0  }
0x59: {  	[tilespmem:v1+s15+$0x0] =	vst.idx.add.f32.msk vm8, v0  }
0x5a: {  	[tilespmem:v1+s15+$0x0] =	vst.idx.add.f32.msk vm9, v0  }
0x5b: {  	[tilespmem:v1+s15+$0x0] =	vst.idx.add.f32.msk vm10, v0  }
0x5c: {  	[tilespmem:v1+s15+$0x0] =	vst.idx.add.f32.msk vm11, v0  }
0x5d: {  	[tilespmem:v1+s15+$0x0] =	vst.idx.add.f32.msk vm12, v0  }
0x5e: {  	[tilespmem:v1+s15+$0x0] =	vst.idx.add.f32.msk vm13, v0  }
0x5f: {  	[tilespmem:v1+s15+$0x0] =	vst.idx.add.f32.msk vm14, v0  }
0x60: {  	v1 =	vld [tilespmem:$0xB0];
	_ =	sdelay $0x7  }
0x61: {  	[tilespmem:v1+s15+$0x0] =	vst.idx.add.f32.msk $0x1, v0  }
0x62: {  	[tilespmem:v1+s15+$0x0] =	vst.idx.add.f32.msk vm0, v0  }
0x63: {  	[tilespmem:v1+s15+$0x0] =	vst.idx.add.f32.msk vm1, v0  }
0x64: {  	[tilespmem:v1+s15+$0x0] =	vst.idx.add.f32.msk vm2, v0  }
0x65: {  	[tilespmem:v1+s15+$0x0] =	vst.idx.add.f32.msk vm3, v0  }
0x66: {  	[tilespmem:v1+s15+$0x0] =	vst.idx.add.f32.msk vm4, v0  }
0x67: {  	[tilespmem:v1+s15+$0x0] =	vst.idx.add.f32.msk vm5, v0  }
0x68: {  	[tilespmem:v1+s15+$0x0] =	vst.idx.add.f32.msk vm6, v0  }
0x69: {  	[tilespmem:v1+s15+$0x0] =	vst.idx.add.f32.msk vm7, v0  }
0x6a: {  	[tilespmem:v1+s15+$0x0] =	vst.idx.add.f32.msk vm8, v0  }
0x6b: {  	[tilespmem:v1+s15+$0x0] =	vst.idx.add.f32.msk vm9, v0  }
0x6c: {  	[tilespmem:v1+s15+$0x0] =	vst.idx.add.f32.msk vm10, v0  }
0x6d: {  	[tilespmem:v1+s15+$0x0] =	vst.idx.add.f32.msk vm11, v0  }
0x6e: {  	[tilespmem:v1+s15+$0x0] =	vst.idx.add.f32.msk vm12, v0  }
0x6f: {  	[tilespmem:v1+s15+$0x0] =	vst.idx.add.f32.msk vm13, v0  }
0x70: {  	[tilespmem:v1+s15+$0x0] =	vst.idx.add.f32.msk vm14, v0  }
0x71: {  	v1 =	vld [tilespmem:$0xC0];
	_ =	sdelay $0x7  }
0x72: {  	[tilespmem:v1+s15+$0x0] =	vst.idx.add.f32.msk $0x1, v0  }
0x73: {  	[tilespmem:v1+s15+$0x0] =	vst.idx.add.f32.msk vm0, v0  }
0x74: {  	[tilespmem:v1+s15+$0x0] =	vst.idx.add.f32.msk vm1, v0  }
0x75: {  	[tilespmem:v1+s15+$0x0] =	vst.idx.add.f32.msk vm2, v0  }
0x76: {  	[tilespmem:v1+s15+$0x0] =	vst.idx.add.f32.msk vm3, v0  }
0x77: {  	[tilespmem:v1+s15+$0x0] =	vst.idx.add.f32.msk vm4, v0  }
0x78: {  	[tilespmem:v1+s15+$0x0] =	vst.idx.add.f32.msk vm5, v0  }
0x79: {  	[tilespmem:v1+s15+$0x0] =	vst.idx.add.f32.msk vm6, v0  }
0x7a: {  	[tilespmem:v1+s15+$0x0] =	vst.idx.add.f32.msk vm7, v0  }
0x7b: {  	[tilespmem:v1+s15+$0x0] =	vst.idx.add.f32.msk vm8, v0  }
0x7c: {  	p0 =	sne.s32 s21, $0x4D8;
	[tilespmem:v1+s15+$0x0] =	vst.idx.add.f32.msk vm9, v0  }
.Ltmp0:
0x7d: {  	[tilespmem:v1+s15+$0x0] =	vst.idx.add.f32.msk vm10, v0;
	(pc) =	sbr.rel @p0 .LBB2_2-.Ltmp0, $4  }
0x7e: {  	[tilespmem:v1+s15+$0x0] =	vst.idx.add.f32.msk vm11, v0  }
0x7f: {  	[tilespmem:v1+s15+$0x0] =	vst.idx.add.f32.msk vm12, v0  }
0x80: {  	[tilespmem:v1+s15+$0x0] =	vst.idx.add.f32.msk vm13, v0  }
0x81: {  	s21 =	sadd.s32 $0xA, s21;
	[tilespmem:v1+s15+$0x0] =	vst.idx.add.f32.msk vm14, v0  }
0x82: {  	[hbm4b:s8+s4] =	stream.linear.scatter [tilespmem:s15], [sflag:$0x2], $0x2800, $0x38;
	[tilespmem:$0x19100] =	vst v63  }
0x83: {  	_ =	swait.ge [sflag:s14], $0x2800  }
0x84: {  	s20 =	sadd.s32 $0x1, s20;
	[sflag:s14] =	ssyncset.done $0x0  }
0x85: {  	p0 =	sne.s32 s20, s10;
	[sflag:s14] =	ssyncadd.s32 $0xFFFFD800  }
.Ltmp1:
0x86: {  	[bflag:$0x0] =	sbarrier.arrive $0xFFFF;
	(pc) =	sbr.rel @p0 .LBB2_1-.Ltmp1, $4  }
0x87: {  	[hbm:s9], [sflag:s7] =	dma.local [spmem:s13], $0x2800  }
0x88: {  	_ =	swait.ge [sflag:s14], $0x2800  }
0x89: {  	[sflag:s14] =	ssyncset.done $0x0  }
0x8a: {  	[sflag:s14] =	ssyncadd.s32 $0xFFFFD800  }
0x8b: {  	_ =	sfence.sel $0x180000  }
0x8c: {  	[bflag:$0x0] =	sbarrier.arrive $0xFFFF  }
0x8d: {  	p0 =	sne.s32 s1, $0x0;
	_ =	strace $0x90000047  }
0x8e: {  	s0 =	sadd.s32 @!p0 $0x100000, s2;
	[bflag:$0x2] =	sbarrier.arrive $0xFFFF  }
0x8f: {  	[sflag:s0] =	ssyncadd.tile.s32 @!p0 $0x1;
	_ =	shalt  }
.Lfunc_end2:
_tile_overlayer_lowered:
.L_overlay_start_2:
0x90: {  	(tag) =	ssettag $0x2  }
0x91: {  	s0 =	rddreg [dreg:$0x0];
	s2 =	stileid.u32  }
0x92: {  	s1 =	rddreg [dreg:$0x1];
	p0 =	sne.s32 s2, $0x0  }
0x93: {  	s3 =	rddreg [dreg:$0x2];
	[bflag:$0x3] =	sbarrier.arrive $0xFFFF;
	s2 =	simm.s32 @!p0 $0x1C02  }
0x94: {  	[timem:s3], [sflag:s2] =	dma.local @!p0 [hbm:s0], s1  }
0x95: {  	s0 =	simm.s32 @!p0 $0x2  }
0x96: {  	_ =	swait.ge @!p0 [sflag:s0], s1  }
0x97: {  	s1 =	ssub.s32 @!p0 $0x0, s1;
	[sflag:s0] =	ssyncset.done @!p0 $0x0  }
0x98: {  	[sflag:s0] =	ssyncadd.s32 @!p0 s1  }
0x99: {  	[bflag:$0x3] =	sbarrier.arrive $0xFFFF  }
0x9a: {  	_ =	shalt  }

// kernel: kernel.9.cloned.1.call-start
scs
__scs_entry_jumppad:
0x0: {  	(pc) =	sbr.rel $0x88, $3  }
0x1: {  	(tag) =	ssettag $0x0;
	lr =	simm.s32 $0x1  }
0x2: {  	[smem:$0x3F99] =	sst lr;
	_ =	strace $0xD0000000  }
0x3: {  	_ = 	snop  }
0x4: {  	_ = 	snop  }
0x5: {  	_ = 	snop  }
0x6: {  	_ = 	snop  }
0x7: {  	_ = 	snop  }
__scs_overlays_trampoline_lowered:
0x8: {  	[smem:$0x3FA8] =	sst s0  }
0x9: {  	[smem:$0x3FA9] =	sst s1  }
0xa: {  	[smem:$0x3FAA] =	sst s2  }
0xb: {  	[smem:$0x3FAB] =	sst s3  }
0xc: {  	[smem:$0x3FAC] =	sst s4  }
0xd: {  	[smem:$0x3FAD] =	sst s5  }
0xe: {  	[smem:$0x3FAE] =	sst s6  }
0xf: {  	[smem:$0x3FAF] =	sst s7  }
0x10: {  	[smem:$0x3FB0] =	sst s8  }
0x11: {  	[smem:$0x3FB1] =	sst s9;
	s0 =	simm.s32 @!p0 $0x0  }
0x12: {  	s1 =	sld [smem:$0x3F97];
	s0 =	simm.s32 @p0 $0x1  }
0x13: {  	[smem:$0x3FB2] =	sst s0;
	s0 =	simm.s32 @!p1 $0x0  }
0x14: {  	s2 =	sld [smem:$0x3F96];
	s0 =	simm.s32 @p1 $0x1  }
0x15: {  	[smem:$0x3FB3] =	sst s0;
	s0 =	simm.s32 @!p2 $0x0  }
0x16: {  	s3 =	sld [smem:$0x3FDB];
	s0 =	simm.s32 @p2 $0x1  }
0x17: {  	s4 =	simm.s32 $0x1BF5;
	[smem:$0x3FB5] =	sst s0  }
0x18: {  	s0 =	sld [smem:$0x3F98];
	_ =	swait.ge [sflag:s4], $0x0  }
0x19: {  	s7 =	sld [smem:$0x3F99]  }
0x1a: {  	s8 =	sadd.s32 $0xFFFFE003, lr  }
0x1b: {  	s9 =	sadd.s32 $0xFFFFFEF7, lr;
	s5 =	simm.s32 $0xFFFFFFFF;
	p2 =	slt.u32 s8, $0xFFFFF086  }
0x1c: {  	p1 =	slt.u32 s9, $0xF7A;
	s5 =	simm.s32 @!p2 $0x0  }
0x1d: {  	s5 =	simm.s32 @p1 $0x1;
	p0 =	seq.s32 s7, s2  }
0x1e: {  	s7 =	smul.u32 @!p0 $0xF7A, s2;
	p2 =	seq.s32 @!p0 s5, $0x0  }
0x1f: {  	s9 =	smul.u32 $0xF7A, s1;
	s8 =	simm.s32 @!p0 $0x1BF5;
	p2 =	por !p2, p0  }
0x20: {  	[sflag:s8] =	ssyncset.s32 @!p0 $0xFFFFF086;
	s6 =	sadd.s32 @!p0 s3, s7;
	s7 =	simm.s32 @!p0 $0x108  }
0x21: {  	s3 =	sadd.s32 s3, s9;
	s6 =	sadd.s32 @!p0 $0x88, s6;
	s7 =	simm.s32 @p2 $0x1082  }
0x22: {  	[simem:s7], [sflag:s8] =	dma.local @!p0 [hbm:s6], $0xF7A  }
0x23: {  	s9 =	sor.u32 $0xD0000000, s2;
	s6 =	simm.s32 $0x108;
	_ =	swait.ge @!p0 [sflag:s8], $0x0  }
0x24: {  	s3 =	sadd.s32 $0x88, s3;
	s6 =	simm.s32 @!p1 $0x1082;
	[sflag:s4] =	ssyncset.s32 $0xFFFFF086  }
0x25: {  	[simem:s6], [sflag:s4] =	dma.local [hbm:s3], $0xF7A  }
0x26: {  	[smem:$0x3F99] =	sst s1;
	(tag) =	ssettag s2;
	_ =	strace s9  }
0x27: {  	s1 =	sld [smem:$0x3FA9]  }
0x28: {  	s2 =	sld [smem:$0x3FAA]  }
0x29: {  	s4 =	sld [smem:$0x3FAC]  }
0x2a: {  	p0 =	seq.s32 s5, $0x0;
	s5 =	sld [smem:$0x3FAD]  }
0x2b: {  	s6 =	sld [smem:$0x3FAE]  }
0x2c: {  	s7 =	sld [smem:$0x3FAF]  }
0x2d: {  	s3 =	simm.s32 $0x108;
	s8 =	sld [smem:$0x3FB0]  }
0x2e: {  	s3 =	simm.s32 @!p0 $0x1082;
	s9 =	sld [smem:$0x3FB1]  }
0x2f: {  	lr =	sadd.s32 s0, s3;
	s0 =	sld [smem:$0x3FA8]  }
0x30: {  	s3 =	sld [smem:$0x3FAB]  }
0x31: {  	[smem:$0x3FB4] =	sst s10  }
0x32: {  	s10 =	sld [smem:$0x3FB2];
	_ =	sdelay $0x3  }
0x33: {  	p0 =	seq.s32 s10, $0x1;
	s10 =	sld [smem:$0x3FB4];
	_ =	sdelay $0x3  }
0x34: {  	[smem:$0x3FB4] =	sst s10  }
0x35: {  	s10 =	sld [smem:$0x3FB3];
	_ =	sdelay $0x3  }
0x36: {  	p1 =	seq.s32 s10, $0x1;
	s10 =	sld [smem:$0x3FB4];
	_ =	sdelay $0x3  }
0x37: {  	[smem:$0x3FB4] =	sst s10  }
0x38: {  	s10 =	sld [smem:$0x3FB5]  }
0x39: {  	_ = 	snop;
	(pc) =	sbr.ind lr, $3  }
0x3a: {  	_ = 	snop  }
0x3b: {  	_ = 	snop  }
0x3c: {  	p2 =	seq.s32 s10, $0x1;
	s10 =	sld [smem:$0x3FB4]  }
0x3d: {  	_ =	shalt  }
0x3e: {  	_ =	shalt  }
0x3f: {  	_ =	shalt  }
0x40: {  	_ =	shalt  }
0x41: {  	_ =	shalt  }
0x42: {  	_ =	shalt  }
0x43: {  	_ =	shalt  }
0x44: {  	_ =	shalt  }
0x45: {  	_ =	shalt  }
0x46: {  	_ =	shalt  }
0x47: {  	_ =	shalt  }
0x48: {  	_ =	shalt  }
0x49: {  	_ =	shalt  }
0x4a: {  	_ =	shalt  }
0x4b: {  	_ =	shalt  }
0x4c: {  	_ =	shalt  }
0x4d: {  	_ =	shalt  }
0x4e: {  	_ =	shalt  }
0x4f: {  	_ =	shalt  }
0x50: {  	_ =	shalt  }
0x51: {  	_ =	shalt  }
0x52: {  	_ =	shalt  }
0x53: {  	_ =	shalt  }
0x54: {  	_ =	shalt  }
0x55: {  	_ =	shalt  }
0x56: {  	_ =	shalt  }
0x57: {  	_ =	shalt  }
0x58: {  	_ =	shalt  }
0x59: {  	_ =	shalt  }
0x5a: {  	_ =	shalt  }
0x5b: {  	_ =	shalt  }
0x5c: {  	_ =	shalt  }
0x5d: {  	_ =	shalt  }
0x5e: {  	_ =	shalt  }
0x5f: {  	_ =	shalt  }
0x60: {  	_ =	shalt  }
0x61: {  	_ =	shalt  }
0x62: {  	_ =	shalt  }
0x63: {  	_ =	shalt  }
0x64: {  	_ =	shalt  }
0x65: {  	_ =	shalt  }
0x66: {  	_ =	shalt  }
0x67: {  	_ =	shalt  }
0x68: {  	_ =	shalt  }
0x69: {  	_ =	shalt  }
0x6a: {  	_ =	shalt  }
0x6b: {  	_ =	shalt  }
0x6c: {  	_ =	shalt  }
0x6d: {  	_ =	shalt  }
0x6e: {  	_ =	shalt  }
0x6f: {  	_ =	shalt  }
0x70: {  	_ =	shalt  }
0x71: {  	_ =	shalt  }
0x72: {  	_ =	shalt  }
0x73: {  	_ =	shalt  }
0x74: {  	_ =	shalt  }
0x75: {  	_ =	shalt  }
0x76: {  	_ =	shalt  }
0x77: {  	_ =	shalt  }
0x78: {  	_ =	shalt  }
0x79: {  	_ =	shalt  }
0x7a: {  	_ =	shalt  }
0x7b: {  	_ =	shalt  }
0x7c: {  	_ =	shalt  }
0x7d: {  	_ =	shalt  }
0x7e: {  	_ =	shalt  }
0x7f: {  	_ =	shalt  }
0x80: {  	_ =	shalt  }
0x81: {  	_ =	shalt  }
0x82: {  	_ =	shalt  }
0x83: {  	_ =	shalt  }
0x84: {  	_ =	shalt  }
0x85: {  	_ =	shalt  }
0x86: {  	_ =	shalt  }
0x87: {  	_ =	shalt  }
.Lfunc_end0:
.L_simem_size_0:
called_computation.1_lowered:
.L_overlay_start_0:
0x88: {  	s2 =	sld [smem:$0x3FD9]  }
0x89: {  	s3 =	sld [smem:$0x3FFE];
	_ =	sdelay $0x1  }
0x8a: {  	s1 =	srdreg.scid  }
0x8b: {  	s0 =	sand.u32 $0x1, s1  }
0x8c: {  	s16 =	sshll.u32 s0, $0xA;
	s2 =	sadd.s32 s3, s2  }
0x8d: {  	s2 =	sadd.s32 s2, s16  }
0x8e: {  	[smem:$0x3FC0] =	sst s2  }
0x8f: {  	_ = 	snop  }
0x90: {  	(tm) =	ssettm $0x1  }
0x91: {  	s17 =	sld [smem:$0x3FFB];
	_ =	sdelay $0x3  }
0x92: {  	_ =	strace s17  }
0x93: {  	s2 =	sld [smem:$0x3FFC];
	_ =	sdelay $0x3  }
0x94: {  	_ =	strace s2  }
0x95: {  	s2 =	sld [smem:$0x3FFD];
	_ =	sdelay $0x3  }
0x96: {  	_ =	strace s2  }
0x97: {  	_ =	strace $0x8FFFFFFF  }
0x98: {  	s18 =	sld [smem:$0x3FDB];
	_ =	sdelay $0x1  }
0x99: {  	s19 =	simm.s32 $_scs_section_size  }
0x9a: {  	s4 =	simm.s32 $_size__tile_overlayer_lowered;
	s5 =	simm.s32 $_tile_overlayer_lowered  }
0x9b: {  	s22 =	simm.s32 $0x1BFF;
	s21 =	sshll.u32 s5, $0x1;
	s2 =	sadd.s32 s19, s18  }
0x9c: {  	s6 =	simm.s32 $0x0;
	s20 =	sshll.u32 s4, $0x1;
	s4 =	sadd.s32 s21, s2  }
0x9d: {  	[timem:s6], [sflag:s22] =	dma.local [hbm:s4], s20  }
0x9e: {  	_ =	swait.ge [sflag:s22], s20  }
0x9f: {  	s3 =	ssub.s32 $0x0, s20;
	[sflag:s22] =	ssyncset.done $0x0  }
0xa0: {  	[sflag:s22] =	ssyncadd.s32 s3;
	_ =	sdelay $0x1  }
0xa1: {  	s23 =	simm.s32 $0x1B8B  }
0xa2: {  	_ =	swait.ge [sflag:s23], $0x1  }
0xa3: {  	[sflag:s23] =	ssyncset.done $0x0  }
0xa4: {  	s25 =	simm.s32 $0x1B8E;
	s24 =	sld [smem:$0x3FFE];
	[sflag:s23] =	ssyncadd.s32 $0xFFFFFFFF  }
0xa5: {  	s26 =	simm.s32 $execute0_lowered;
	[smem:$0x3FD2] =	sst s25  }
0xa6: {  	s4 =	sshll.u32 s26, $0x1;
	_ =	strace $0x80000049;
	[dreg:$0x1] =	wrdreg $0xFFFFFFFF  }
0xa7: {  	s28 =	simm.s32 $_size_execute0_lowered;
	s2 =	sadd.s32 s2, s4;
	[dreg:$0x0] =	wrdreg $0x0  }
0xa8: {  	s4 =	sshll.u32 s28, $0x1;
	[dreg:$0x2] =	wrdreg s2  }
0xa9: {  	[dreg:$0x3] =	wrdreg s4  }
0xaa: {  	[dreg:$0x4] =	wrdreg $0xC0  }
0xab: {  	_ =	task [dreg:s6], $0x5FFFF  }
0xac: {  	[dreg:$0x1] =	wrdreg $0xFFFFFFFF  }
0xad: {  	[dreg:$0x0] =	wrdreg $0x60  }
0xae: {  	[dreg:$0x2] =	wrdreg s24  }
0xaf: {  	[dreg:$0x3] =	wrdreg $0x29000  }
0xb0: {  	[dreg:$0x4] =	wrdreg $0x9  }
0xb1: {  	_ =	task.clear_ibuf [dreg:s6], $0x5FFFF;
	_ =	strace $0x90000049  }
0xb2: {  	s29 =	simm.s32 $0x9;
	_ =	strace $0x8000004B  }
0xb3: {  	_ =	swait.ge [sflag:s29], $0x1  }
0xb4: {  	[sflag:s29] =	ssyncadd.s32 $0xFFFFFFFF  }
0xb5: {  	_ =	strace $0x9000004B  }
0xb6: {  	_ =	sfence  }
0xb7: {  	s30 =	sld [smem:$0x0];
	_ =	sdelay $0x2  }
0xb8: {  	s31 =	sshll.u32 s1, $0xD;
	s1 =	sshrl.u32 s1, $0x2  }
0xb9: {  	s3 =	sand.u32 $0x4000, s31;
	s1 =	sadd.s32 s1, s30  }
0xba: {  	s0 =	sor.u32 s3, s0;
	s1 =	sshll.u32 s1, $0x11  }
0xbb: {  	s0 =	sor.u32 s1, s0  }
0xbc: {  	s0 =	sadd.s32 $0x8F2B, s0  }
0xbd: {  	[sflag:s0] =	ssyncadd.remote.s32 $0x1  }
0xbe: {  	_ =	sfence.sel $0xFFFF  }
0xbf: {  	[dreg:$0x0] =	wrdreg $0xFFFFFFFF;
	(pc) =	sbr.abs _section_cstart, $3  }
0xc0: {  	[dreg:$0x1] =	wrdreg $0xFFFFFFFF  }
0xc1: {  	_ =	task.clear_ibuf [dreg:s6], $0x2FFFF;
	_ =	strace $0x9FFFFFFF  }
0xc2: {  	(tm) =	ssettm $0x7FFFFFFF  }
0xc3: {  	_ =	shalt  }
tec
execute0_lowered:
.L_overlay_start_1:
0x0: {  	(tag) =	ssettag $0x1  }
0x1: {  	s6 =	rddreg [dreg:$0x0]  }
0x2: {  	s2 =	rddreg [dreg:$0x1]  }
0x3: {  	s0 =	srdreg.scid;
	s1 =	rddreg [dreg:$0x2]  }
0x4: {  	s3 =	simm.s32 $0x0;
	s13 =	simm.s32 $0x80;
	s7 =	sand.u32 $0x1, s0  }
0x5: {  	s14 =	simm.s32 $0x50;
	s0 =	stileid.u32;
	s4 =	smul.u32 $0x27100, s7  }
0x6: {  	s15 =	simm.s32 $0x100;
	s16 =	simm.s32 $0x1;
	s5 =	smul.u32 $0x2710, s0  }
0x7: {  	s17 =	simm.s32 $0x0;
	[smem:$0x7FF] =	sst s3;
	s8 =	smul.u32 $0x140000, s7  }
0x8: {  	s9 =	smul.u32 $0x14000, s0;
	_ =	strace $0x8000004A;
	s7 =	ssub.s32 $0x2, s7  }
0x9: {  	s29 =	smul.u32 $0x50000, s0;
	s31 =	sshll.u32 s0, $0x6;
	s30 =	sshrl.u32 s7, $0x1  }
0xa: {  	s5 =	sadd.s32 s5, s4;
	s4 =	sadd.s32 $0x18E00, s6;
	s8 =	sadd.s32 s9, s8  }
0xb: {  	s9 =	sshrl.u32 s29, $0x2;
	s11 =	ssub.s32 s7, s30;
	s5 =	sshrl.u32 s5, $0x3  }
0xc: {  	s8 =	sshrl.u32 s8, $0x3;
	s12 =	sadd.s32 s9, s2;
	s10 =	sadd.s32 s5, s6  }
0xd: {  	s5 =	sadd.s32 $0x16600, s6;
	s8 =	sadd.s32 s8, s6;
	s6 =	sor.u32 $0x1C02, s31  }
0xe: {  	s7 =	sadd.s32 $0x40E00, s8;
	s8 =	smax.u32 s11, $0x1;
	s9 =	sadd.s32 $0x2400, s10  }
0xf: {  	s10 =	sadd.s32 $0xC200, s10;
	s11 =	sshrl.u32 s12, $0x3;
	s12 =	simm.s32 $0x2  }
.LBB2_1:
0x10: {  	[spmem:s11], [sflag:s6] =	dma.local [hbm:s5], $0x2800  }
0x11: {  	_ =	swait.ge [sflag:s12], $0x2800  }
0x12: {  	[sflag:s12] =	ssyncset.done $0x0  }
0x13: {  	[sflag:s12] =	ssyncadd.s32 $0xFFFFD800  }
0x14: {  	s18 =	sadd.s32 $0x0, s10;
	[bflag:$0x0] =	sbarrier.arrive $0xFFFF  }
0x15: {  	[tilespmem:s3], [sflag:$0x2] =	stream.linear.gather [hbm4b:s18+s3], $0x50, $0x38;
	[tilespmem:$0x16900] =	vst v63  }
0x16: {  	_ =	swait.ge [sflag:s12], $0x50  }
0x17: {  	[sflag:s12] =	ssyncset.done $0x0  }
0x18: {  	s31 =	sadd.s32 $0x0, s9;
	[sflag:s12] =	ssyncadd.s32 $0xFFFFFFB0  }
0x19: {  	[tilespmem:s13], [sflag:$0x2] =	stream.linear.gather [hbm4b:s31+s3], $0x50, $0x38;
	[tilespmem:$0x16900] =	vst v63  }
0x1a: {  	_ =	swait.ge [sflag:s12], $0x50  }
0x1b: {  	[sflag:s12] =	ssyncset.done $0x0  }
0x1c: {  	[sflag:s12] =	ssyncadd.s32 $0xFFFFFFB0  }
0x1d: {  	[tilespmem:s15], [sflag:$0x1] =	stream.indirect.gather [hbm4b:s4+s14], $0x80, s3, s14, $0xb8;
	[tilespmem:$0x16900] =	vst v63  }
0x1e: {  	_ =	swait.ge [sflag:s16], $0x2800  }
0x1f: {  	[sflag:s16] =	ssyncset.done $0x0  }
0x20: {  	[sflag:s16] =	ssyncadd.s32 $0xFFFFD800  }
0x21: {  	[spmem:s2] =	stream.indirect.scatter.add.f32 [tilespmem:s15], [sflag:$0x2], $0x80, s13, s14, $0xb8;
	[tilespmem:$0x16900] =	vst v63  }
0x22: {  	_ =	swait.ge [sflag:s12], $0x2800  }
0x23: {  	s19 =	simm.s32 $0x14;
	s18 =	simm.s32 $0xA;
	[sflag:s12] =	ssyncset.done $0x0  }
.LBB2_2:
0x24: {  	s20 =	sadd.s32 s18, s10  }
0x25: {  	[sflag:s12] =	ssyncadd.s32 $0xFFFFD800;
	s21 =	smov.u32 s19;
	s22 =	sadd.s32 $0xA, s19  }
0x26: {  	[tilespmem:s3], [sflag:$0x2] =	stream.linear.gather [hbm4b:s20+s3], $0x50, $0x38;
	[tilespmem:$0x16900] =	vst v63  }
0x27: {  	p0 =	sne.s32 s19, $0x4D8;
	_ =	swait.ge [sflag:s12], $0x50  }
0x28: {  	[sflag:s12] =	ssyncset.done $0x0  }
0x29: {  	s19 =	sadd.s32 s18, s9;
	s18 =	smov.u32 s21;
	[sflag:s12] =	ssyncadd.s32 $0xFFFFFFB0  }
0x2a: {  	[tilespmem:s13], [sflag:$0x2] =	stream.linear.gather [hbm4b:s19+s3], $0x50, $0x38;
	[tilespmem:$0x16900] =	vst v63  }
0x2b: {  	_ =	swait.ge [sflag:s12], $0x50  }
0x2c: {  	[sflag:s12] =	ssyncset.done $0x0  }
0x2d: {  	[sflag:s12] =	ssyncadd.s32 $0xFFFFFFB0  }
0x2e: {  	[tilespmem:s15], [sflag:$0x1] =	stream.indirect.gather [hbm4b:s4+s14], $0x80, s3, s14, $0xb8;
	[tilespmem:$0x16900] =	vst v63  }
0x2f: {  	_ =	swait.ge [sflag:s16], $0x2800  }
.Ltmp0:
0x30: {  	[sflag:s16] =	ssyncset.done $0x0;
	(pc) =	sbr.rel @p0 .LBB2_2-.Ltmp0, $4  }
0x31: {  	[sflag:s16] =	ssyncadd.s32 $0xFFFFD800  }
0x32: {  	[spmem:s2] =	stream.indirect.scatter.add.f32 [tilespmem:s15], [sflag:$0x2], $0x80, s13, s14, $0xb8;
	[tilespmem:$0x16900] =	vst v63  }
0x33: {  	_ =	swait.ge [sflag:s12], $0x2800  }
0x34: {  	s19 =	smov.u32 s22;
	[sflag:s12] =	ssyncset.done $0x0  }
0x35: {  	s19 =	sadd.s32 s18, s10;
	[sflag:s12] =	ssyncadd.s32 $0xFFFFD800  }
0x36: {  	[tilespmem:s3], [sflag:$0x2] =	stream.linear.gather [hbm4b:s19+s3], $0x50, $0x38;
	[tilespmem:$0x16900] =	vst v63  }
0x37: {  	_ =	swait.ge [sflag:s12], $0x50  }
0x38: {  	[sflag:s12] =	ssyncset.done $0x0  }
0x39: {  	s31 =	sadd.s32 s18, s9;
	[sflag:s12] =	ssyncadd.s32 $0xFFFFFFB0  }
0x3a: {  	[tilespmem:s13], [sflag:$0x2] =	stream.linear.gather [hbm4b:s31+s3], $0x50, $0x38;
	[tilespmem:$0x16900] =	vst v63  }
0x3b: {  	_ =	swait.ge [sflag:s12], $0x50  }
0x3c: {  	[sflag:s12] =	ssyncset.done $0x0  }
0x3d: {  	[sflag:s12] =	ssyncadd.s32 $0xFFFFFFB0  }
0x3e: {  	[tilespmem:s15], [sflag:$0x1] =	stream.indirect.gather [hbm4b:s4+s14], $0x80, s3, s14, $0xb8;
	[tilespmem:$0x16900] =	vst v63  }
0x3f: {  	_ =	swait.ge [sflag:s16], $0x2800  }
0x40: {  	[sflag:s16] =	ssyncset.done $0x0  }
0x41: {  	[sflag:s16] =	ssyncadd.s32 $0xFFFFD800  }
0x42: {  	[spmem:s2] =	stream.indirect.scatter.add.f32 [tilespmem:s15], [sflag:$0x2], $0x80, s13, s14, $0xb8;
	[tilespmem:$0x16900] =	vst v63  }
0x43: {  	_ =	swait.ge [sflag:s12], $0x2800  }
0x44: {  	s17 =	sadd.s32 $0x1, s17;
	[sflag:s12] =	ssyncset.done $0x0  }
0x45: {  	p0 =	sne.s32 s17, s8;
	[sflag:s12] =	ssyncadd.s32 $0xFFFFD800  }
.Ltmp1:
0x46: {  	[bflag:$0x0] =	sbarrier.arrive $0xFFFF;
	(pc) =	sbr.rel @p0 .LBB2_1-.Ltmp1, $4  }
0x47: {  	[hbm:s7], [sflag:s6] =	dma.local [spmem:s11], $0x2800  }
0x48: {  	_ =	swait.ge [sflag:s12], $0x2800  }
0x49: {  	[sflag:s12] =	ssyncset.done $0x0  }
0x4a: {  	[sflag:s12] =	ssyncadd.s32 $0xFFFFD800  }
0x4b: {  	_ =	sfence.sel $0x180000  }
0x4c: {  	[bflag:$0x0] =	sbarrier.arrive $0xFFFF  }
0x4d: {  	p0 =	sne.s32 s0, $0x0;
	_ =	strace $0x9000004A  }
0x4e: {  	s0 =	sadd.s32 @!p0 $0x100000, s1;
	[bflag:$0x2] =	sbarrier.arrive $0xFFFF  }
0x4f: {  	[sflag:s0] =	ssyncadd.tile.s32 @!p0 $0x1;
	_ =	shalt  }
.Lfunc_end2:
_tile_overlayer_lowered:
.L_overlay_start_2:
0x50: {  	(tag) =	ssettag $0x2  }
0x51: {  	s0 =	rddreg [dreg:$0x0];
	s2 =	stileid.u32  }
0x52: {  	s1 =	rddreg [dreg:$0x1];
	p0 =	sne.s32 s2, $0x0  }
0x53: {  	s3 =	rddreg [dreg:$0x2];
	[bflag:$0x3] =	sbarrier.arrive $0xFFFF;
	s2 =	simm.s32 @!p0 $0x1C02  }
0x54: {  	[timem:s3], [sflag:s2] =	dma.local @!p0 [hbm:s0], s1  }
0x55: {  	s0 =	simm.s32 @!p0 $0x2  }
0x56: {  	_ =	swait.ge @!p0 [sflag:s0], s1  }
0x57: {  	s1 =	ssub.s32 @!p0 $0x0, s1;
	[sflag:s0] =	ssyncset.done @!p0 $0x0  }
0x58: {  	[sflag:s0] =	ssyncadd.s32 @!p0 s1  }
0x59: {  	[bflag:$0x3] =	sbarrier.arrive $0xFFFF  }
0x5a: {  	_ =	shalt  }

</sc_bundles>
